<compile_context>
chip_gen: v7x
topology: tpu7x:2x2x1
jax: 0.10.2.dev20260603
libtpu: 0.0.44.dev20260713+nightly
codegen_flags: <defaults>
</compile_context>

<pallas_src>
import functools

import jax
import jax.numpy as jnp
from jax import lax
from jax.experimental import pallas as pl
from jax.experimental.pallas import tpu as pltpu
from jax.experimental.pallas import tpu_sc as plsc

BATCH = 64
SEQ = 2048
D = 512
VOCAB = 52
N_TOK = BATCH * SEQ
NC = 2
NS = 16
NW = NC * NS
L = 16

SC_TOK = 2048
TC_TOK = N_TOK - SC_TOK
TOK_PER_W = SC_TOK // NW
N_GRP = TOK_PER_W // L

BLK = 2048
NBLK = TC_TOK // BLK
SC_BLKS = SC_TOK // BLK
VPAD = 64


@functools.partial(
    pl.kernel,
    mesh=plsc.VectorSubcoreMesh(core_axis_name="c", subcore_axis_name="s"),
    out_type=jax.ShapeDtypeStruct((SC_TOK * D,), jnp.float32),
    scratch_types=[
        pltpu.VMEM((VOCAB * D,), jnp.float32),
        pltpu.VMEM((TOK_PER_W,), jnp.int32),
        pltpu.SemaphoreType.DMA,
    ],
    compiler_params=pltpu.CompilerParams(
        use_tc_tiling_on_sc=False, needs_layout_passes=False),
)
def _embed_sc(tokens_hbm, table_hbm, out_hbm, table_v, idx_v, sem):
    wid = lax.axis_index("s") * NC + lax.axis_index("c")
    base = wid * TOK_PER_W
    pltpu.sync_copy(table_hbm, table_v)
    pltpu.sync_copy(tokens_hbm.at[pl.ds(base, TOK_PER_W)], idx_v)

    def wait_one():
        pltpu.make_async_copy(
            table_v.at[pl.ds(0, D)],
            out_hbm.at[pl.ds(base * D, D)], sem).wait()

    def gbody(g, carry):
        tok16 = idx_v[pl.ds(pl.multiple_of(g * L, L), L)]
        for j in range(L):
            pltpu.async_copy(
                table_v.at[pl.ds(tok16[j] * D, D)],
                out_hbm.at[pl.ds((base + g * L + j) * D, D)], sem)

        @pl.when(g >= 1)
        def _drain_prev_group():
            for _ in range(L):
                wait_one()

        return carry

    lax.fori_loop(0, N_GRP, gbody, 0)
    for _ in range(L):
        wait_one()


def _tc_body(tok_ref, tab_ref, out_ref):
    tok = tok_ref[0, 0, :].reshape(BLK, 1)
    iota = lax.broadcasted_iota(jnp.int32, (BLK, VPAD), 1)
    onehot = (tok == iota).astype(jnp.float32)
    out_ref[...] = jnp.dot(onehot, tab_ref[...],
                           preferred_element_type=jnp.float32)


def _embed_tc(tokens3, table_pad):
    return pl.pallas_call(
        _tc_body,
        grid=(NBLK,),
        in_specs=[
            pl.BlockSpec((1, 1, BLK), lambda i: (i, 0, 0)),
            pl.BlockSpec((VPAD, D), lambda i: (0, 0)),
        ],
        out_specs=pl.BlockSpec((BLK, D), lambda i: (SC_BLKS + i, 0)),
        out_shape=jax.ShapeDtypeStruct((N_TOK, D), jnp.float32),
    )(tokens3, table_pad)


def kernel(tokens, embed_weight):
    flat = tokens.reshape(-1).astype(jnp.int32)
    sc_part = _embed_sc(flat[:SC_TOK], embed_weight.reshape(-1))
    tab = jnp.zeros((VPAD, D), jnp.float32).at[:VOCAB].set(embed_weight)
    tc_out = _embed_tc(flat[SC_TOK:].reshape(NBLK, 1, BLK), tab)
    out = lax.dynamic_update_slice(
        tc_out, sc_part.reshape(SC_TOK, D), (0, 0))
    return out.reshape(BATCH, SEQ, D)

# --- scband reference (transcript-rebuilt; emitter-appended) ---
"""Pipeline reference for scband-discrete-expression-embedding-84482006712706 (READ-ONLY COPY).

The authoritative reference and input builder live on the scoring server;
editing this copy changes nothing except your own understanding.
"""

import jax, jax.numpy as jnp
import numpy as np

N_BINS = 51
EMBED_DIM = 512
VOCAB = N_BINS + 1  # bins + <mask>
BATCH = 64
SEQ = 2048


def setup_inputs(seed: int = 0) -> dict:
    key = jax.random.key(seed)
    k_tok, k_emb = jax.random.split(key)
    tokens = jax.random.randint(k_tok, (BATCH, SEQ), 0, VOCAB, dtype=jnp.int64 if jax.config.jax_enable_x64 else jnp.int32)
    # nn.Embedding default init: N(0, 1)
    embed_weight = jax.random.normal(k_emb, (VOCAB, EMBED_DIM), dtype=jnp.float32)
    return {"tokens": tokens, "embed_weight": embed_weight}


def reference(tokens, embed_weight):
    # DiscreteExpressionEmbedding.forward: self.embed(tokens)
    return jnp.take(embed_weight, tokens, axis=0)

if __name__ == "__main__":
    import jax
    _d = setup_inputs()
    print(jax.jit(kernel)(*tuple(_d.values())))

</pallas_src>

<mosaic_0001>
#map = affine_map<(d0, d1) -> (0)>
module attributes {stable_mosaic.version = 14 : i64} {
  func.func @_embed_sc(%arg0: i32, %arg1: i32, %arg2: memref<2048xi32, #tpu.memory_space<hbm>>, %arg3: memref<26624xf32, #tpu.memory_space<hbm>>, %arg4: memref<1048576xf32, #tpu.memory_space<hbm>>, %arg5: memref<26624xf32, #tpu.memory_space<vmem>>, %arg6: memref<64xi32, #tpu.memory_space<vmem>>, %arg7: memref<!tpu.dma_semaphore, #tpu.memory_space<semaphore_mem>>) attributes {dimension_semantics = [#tpu.dimension_semantics<core_parallel>, #tpu.dimension_semantics<subcore_parallel>], iteration_bounds = array<i64: 2, 16>, scalar_prefetch = 0 : i64, scratch_operands = 3 : i64, tpu.core_type = #tpu.core_type<sc_vector_subcore>, window_params = [{transform_indices = #map}, {transform_indices = #map}, {transform_indices = #map}]} {
    %mul3A = arith.constant 2 : i32
    %mul3A_0 = arith.muli %arg1, %mul3A : i32
    %add3A = arith.addi %mul3A_0, %arg0 : i32
    %mul3A_1 = arith.constant 64 : i32
    %mul3A_2 = arith.muli %add3A, %mul3A_1 : i32
    "tpu.region"() ({
      %run_scoped3A = tpu.sem_alloc : memref<!tpu.dma_semaphore, #tpu.memory_space<semaphore_mem>>
      tpu.enqueue_dma source(%arg3 : memref<26624xf32, #tpu.memory_space<hbm>>) target(%arg5 : memref<26624xf32, #tpu.memory_space<vmem>>) target_semaphore(%run_scoped3A : memref<!tpu.dma_semaphore, #tpu.memory_space<semaphore_mem>>)
      tpu.wait_dma2 semaphore(%run_scoped3A : memref<!tpu.dma_semaphore, #tpu.memory_space<semaphore_mem>>) src(%arg3 : memref<26624xf32, #tpu.memory_space<hbm>>) dst(%arg5 : memref<26624xf32, #tpu.memory_space<vmem>>)
      tpu.yield
    }) : () -> ()
    "tpu.region"() ({
      %run_scoped3A = tpu.sem_alloc : memref<!tpu.dma_semaphore, #tpu.memory_space<semaphore_mem>>
      %dma_start3A = tpu.memref_slice %arg2[%mul3A_2] : memref<2048xi32, #tpu.memory_space<hbm>> -> memref<64xi32, #tpu.memory_space<hbm>>
      %dma_start3A_135 = tpu.memref_slice %arg2[%mul3A_2] : memref<2048xi32, #tpu.memory_space<hbm>> -> memref<64xi32, #tpu.memory_space<hbm>>
      tpu.enqueue_dma source(%dma_start3A_135 : memref<64xi32, #tpu.memory_space<hbm>>) target(%arg6 : memref<64xi32, #tpu.memory_space<vmem>>) target_semaphore(%run_scoped3A : memref<!tpu.dma_semaphore, #tpu.memory_space<semaphore_mem>>)
      %dma_wait3A_136 = tpu.memref_slice %arg2[%mul3A_2] : memref<2048xi32, #tpu.memory_space<hbm>> -> memref<64xi32, #tpu.memory_space<hbm>>
      %dma_wait3A_137 = tpu.memref_slice %arg2[%mul3A_2] : memref<2048xi32, #tpu.memory_space<hbm>> -> memref<64xi32, #tpu.memory_space<hbm>>
      tpu.wait_dma2 semaphore(%run_scoped3A : memref<!tpu.dma_semaphore, #tpu.memory_space<semaphore_mem>>) src(%dma_wait3A_137 : memref<64xi32, #tpu.memory_space<hbm>>) dst(%arg6 : memref<64xi32, #tpu.memory_space<vmem>>)
      tpu.yield
    }) : () -> ()
    %scan3A = arith.constant 0 : i32
    %scan3A_3 = arith.constant 0 : i32
    %scan3A_4 = arith.constant 4 : i32
    %scan3A_5 = arith.addi %scan3A_3, %scan3A_4 : i32
    %scan3A_6 = arith.constant 1 : i32
    scf.for %scan3A_135 = %scan3A_3 to %scan3A_5 step %scan3A_6  : i32 {
      %mul3A_136 = arith.constant 16 : i32
      %mul3A_137 = arith.muli %scan3A_135, %mul3A_136 : i32
      %multiple_of3A = tpu.assume_multiple %mul3A_137, 16 : i32
      %get3A = arith.index_cast %multiple_of3A : i32 to index
      %get3A_138 = tpu.vector_load %arg6[%get3A] {strides = array<i32>} : memref<64xi32, #tpu.memory_space<vmem>>, vector<16xi32>,
      %slice3A = vector.extract_strided_slice %get3A_138 {offsets = [0], sizes = [1], strides = [1]} : vector<16xi32> to vector<1xi32>
      %squeeze3A = vector.extract %slice3A[0] : i32 from vector<1xi32>
      %mul3A_139 = arith.constant 512 : i32
      %mul3A_140 = arith.muli %squeeze3A, %mul3A_139 : i32
      %mul3A_141 = arith.constant 16 : i32
      %mul3A_142 = arith.muli %scan3A_135, %mul3A_141 : i32
      %add3A_143 = arith.addi %mul3A_2, %mul3A_142 : i32
      %add3A_144 = arith.constant 0 : i32
      %add3A_145 = arith.addi %add3A_143, %add3A_144 : i32
      %mul3A_146 = arith.constant 512 : i32
      %mul3A_147 = arith.muli %add3A_145, %mul3A_146 : i32
      %dma_start3A = tpu.memref_slice %arg5[%mul3A_140] : memref<26624xf32, #tpu.memory_space<vmem>> -> memref<512xf32, #tpu.memory_space<vmem>>
      %dma_start3A_148 = tpu.memref_slice %arg4[%mul3A_147] : memref<1048576xf32, #tpu.memory_space<hbm>> -> memref<512xf32, #tpu.memory_space<hbm>>
      %dma_start3A_149 = tpu.memref_slice %arg4[%mul3A_147] : memref<1048576xf32, #tpu.memory_space<hbm>> -> memref<512xf32, #tpu.memory_space<hbm>>
      %dma_start3A_150 = tpu.memref_slice %arg5[%mul3A_140] : memref<26624xf32, #tpu.memory_space<vmem>> -> memref<512xf32, #tpu.memory_space<vmem>>
      tpu.enqueue_dma source(%dma_start3A_150 : memref<512xf32, #tpu.memory_space<vmem>>) target(%dma_start3A_149 : memref<512xf32, #tpu.memory_space<hbm>>) target_semaphore(%arg7 : memref<!tpu.dma_semaphore, #tpu.memory_space<semaphore_mem>>)
      %slice3A_151 = vector.extract_strided_slice %get3A_138 {offsets = [1], sizes = [1], strides = [1]} : vector<16xi32> to vector<1xi32>
      %squeeze3A_152 = vector.extract %slice3A_151[0] : i32 from vector<1xi32>
      %mul3A_153 = arith.constant 512 : i32
      %mul3A_154 = arith.muli %squeeze3A_152, %mul3A_153 : i32
      %mul3A_155 = arith.constant 16 : i32
      %mul3A_156 = arith.muli %scan3A_135, %mul3A_155 : i32
      %add3A_157 = arith.addi %mul3A_2, %mul3A_156 : i32
      %add3A_158 = arith.constant 1 : i32
      %add3A_159 = arith.addi %add3A_157, %add3A_158 : i32
      %mul3A_160 = arith.constant 512 : i32
      %mul3A_161 = arith.muli %add3A_159, %mul3A_160 : i32
      %dma_start3A_162 = tpu.memref_slice %arg5[%mul3A_154] : memref<26624xf32, #tpu.memory_space<vmem>> -> memref<512xf32, #tpu.memory_space<vmem>>
      %dma_start3A_163 = tpu.memref_slice %arg4[%mul3A_161] : memref<1048576xf32, #tpu.memory_space<hbm>> -> memref<512xf32, #tpu.memory_space<hbm>>
      %dma_start3A_164 = tpu.memref_slice %arg4[%mul3A_161] : memref<1048576xf32, #tpu.memory_space<hbm>> -> memref<512xf32, #tpu.memory_space<hbm>>
      %dma_start3A_165 = tpu.memref_slice %arg5[%mul3A_154] : memref<26624xf32, #tpu.memory_space<vmem>> -> memref<512xf32, #tpu.memory_space<vmem>>
      tpu.enqueue_dma source(%dma_start3A_165 : memref<512xf32, #tpu.memory_space<vmem>>) target(%dma_start3A_164 : memref<512xf32, #tpu.memory_space<hbm>>) target_semaphore(%arg7 : memref<!tpu.dma_semaphore, #tpu.memory_space<semaphore_mem>>)
      %slice3A_166 = vector.extract_strided_slice %get3A_138 {offsets = [2], sizes = [1], strides = [1]} : vector<16xi32> to vector<1xi32>
      %squeeze3A_167 = vector.extract %slice3A_166[0] : i32 from vector<1xi32>
      %mul3A_168 = arith.constant 512 : i32
      %mul3A_169 = arith.muli %squeeze3A_167, %mul3A_168 : i32
      %mul3A_170 = arith.constant 16 : i32
      %mul3A_171 = arith.muli %scan3A_135, %mul3A_170 : i32
      %add3A_172 = arith.addi %mul3A_2, %mul3A_171 : i32
      %add3A_173 = arith.constant 2 : i32
      %add3A_174 = arith.addi %add3A_172, %add3A_173 : i32
      %mul3A_175 = arith.constant 512 : i32
      %mul3A_176 = arith.muli %add3A_174, %mul3A_175 : i32
      %dma_start3A_177 = tpu.memref_slice %arg5[%mul3A_169] : memref<26624xf32, #tpu.memory_space<vmem>> -> memref<512xf32, #tpu.memory_space<vmem>>
      %dma_start3A_178 = tpu.memref_slice %arg4[%mul3A_176] : memref<1048576xf32, #tpu.memory_space<hbm>> -> memref<512xf32, #tpu.memory_space<hbm>>
      %dma_start3A_179 = tpu.memref_slice %arg4[%mul3A_176] : memref<1048576xf32, #tpu.memory_space<hbm>> -> memref<512xf32, #tpu.memory_space<hbm>>
      %dma_start3A_180 = tpu.memref_slice %arg5[%mul3A_169] : memref<26624xf32, #tpu.memory_space<vmem>> -> memref<512xf32, #tpu.memory_space<vmem>>
      tpu.enqueue_dma source(%dma_start3A_180 : memref<512xf32, #tpu.memory_space<vmem>>) target(%dma_start3A_179 : memref<512xf32, #tpu.memory_space<hbm>>) target_semaphore(%arg7 : memref<!tpu.dma_semaphore, #tpu.memory_space<semaphore_mem>>)
      %slice3A_181 = vector.extract_strided_slice %get3A_138 {offsets = [3], sizes = [1], strides = [1]} : vector<16xi32> to vector<1xi32>
      %squeeze3A_182 = vector.extract %slice3A_181[0] : i32 from vector<1xi32>
      %mul3A_183 = arith.constant 512 : i32
      %mul3A_184 = arith.muli %squeeze3A_182, %mul3A_183 : i32
      %mul3A_185 = arith.constant 16 : i32
      %mul3A_186 = arith.muli %scan3A_135, %mul3A_185 : i32
      %add3A_187 = arith.addi %mul3A_2, %mul3A_186 : i32
      %add3A_188 = arith.constant 3 : i32
      %add3A_189 = arith.addi %add3A_187, %add3A_188 : i32
      %mul3A_190 = arith.constant 512 : i32
      %mul3A_191 = arith.muli %add3A_189, %mul3A_190 : i32
      %dma_start3A_192 = tpu.memref_slice %arg5[%mul3A_184] : memref<26624xf32, #tpu.memory_space<vmem>> -> memref<512xf32, #tpu.memory_space<vmem>>
      %dma_start3A_193 = tpu.memref_slice %arg4[%mul3A_191] : memref<1048576xf32, #tpu.memory_space<hbm>> -> memref<512xf32, #tpu.memory_space<hbm>>
      %dma_start3A_194 = tpu.memref_slice %arg4[%mul3A_191] : memref<1048576xf32, #tpu.memory_space<hbm>> -> memref<512xf32, #tpu.memory_space<hbm>>
      %dma_start3A_195 = tpu.memref_slice %arg5[%mul3A_184] : memref<26624xf32, #tpu.memory_space<vmem>> -> memref<512xf32, #tpu.memory_space<vmem>>
      tpu.enqueue_dma source(%dma_start3A_195 : memref<512xf32, #tpu.memory_space<vmem>>) target(%dma_start3A_194 : memref<512xf32, #tpu.memory_space<hbm>>) target_semaphore(%arg7 : memref<!tpu.dma_semaphore, #tpu.memory_space<semaphore_mem>>)
      %slice3A_196 = vector.extract_strided_slice %get3A_138 {offsets = [4], sizes = [1], strides = [1]} : vector<16xi32> to vector<1xi32>
      %squeeze3A_197 = vector.extract %slice3A_196[0] : i32 from vector<1xi32>
      %mul3A_198 = arith.constant 512 : i32
      %mul3A_199 = arith.muli %squeeze3A_197, %mul3A_198 : i32
      %mul3A_200 = arith.constant 16 : i32
      %mul3A_201 = arith.muli %scan3A_135, %mul3A_200 : i32
      %add3A_202 = arith.addi %mul3A_2, %mul3A_201 : i32
      %add3A_203 = arith.constant 4 : i32
      %add3A_204 = arith.addi %add3A_202, %add3A_203 : i32
      %mul3A_205 = arith.constant 512 : i32
      %mul3A_206 = arith.muli %add3A_204, %mul3A_205 : i32
      %dma_start3A_207 = tpu.memref_slice %arg5[%mul3A_199] : memref<26624xf32, #tpu.memory_space<vmem>> -> memref<512xf32, #tpu.memory_space<vmem>>
      %dma_start3A_208 = tpu.memref_slice %arg4[%mul3A_206] : memref<1048576xf32, #tpu.memory_space<hbm>> -> memref<512xf32, #tpu.memory_space<hbm>>
      %dma_start3A_209 = tpu.memref_slice %arg4[%mul3A_206] : memref<1048576xf32, #tpu.memory_space<hbm>> -> memref<512xf32, #tpu.memory_space<hbm>>
      %dma_start3A_210 = tpu.memref_slice %arg5[%mul3A_199] : memref<26624xf32, #tpu.memory_space<vmem>> -> memref<512xf32, #tpu.memory_space<vmem>>
      tpu.enqueue_dma source(%dma_start3A_210 : memref<512xf32, #tpu.memory_space<vmem>>) target(%dma_start3A_209 : memref<512xf32, #tpu.memory_space<hbm>>) target_semaphore(%arg7 : memref<!tpu.dma_semaphore, #tpu.memory_space<semaphore_mem>>)
      %slice3A_211 = vector.extract_strided_slice %get3A_138 {offsets = [5], sizes = [1], strides = [1]} : vector<16xi32> to vector<1xi32>
      %squeeze3A_212 = vector.extract %slice3A_211[0] : i32 from vector<1xi32>
      %mul3A_213 = arith.constant 512 : i32
      %mul3A_214 = arith.muli %squeeze3A_212, %mul3A_213 : i32
      %mul3A_215 = arith.constant 16 : i32
      %mul3A_216 = arith.muli %scan3A_135, %mul3A_215 : i32
      %add3A_217 = arith.addi %mul3A_2, %mul3A_216 : i32
      %add3A_218 = arith.constant 5 : i32
      %add3A_219 = arith.addi %add3A_217, %add3A_218 : i32
      %mul3A_220 = arith.constant 512 : i32
      %mul3A_221 = arith.muli %add3A_219, %mul3A_220 : i32
      %dma_start3A_222 = tpu.memref_slice %arg5[%mul3A_214] : memref<26624xf32, #tpu.memory_space<vmem>> -> memref<512xf32, #tpu.memory_space<vmem>>
      %dma_start3A_223 = tpu.memref_slice %arg4[%mul3A_221] : memref<1048576xf32, #tpu.memory_space<hbm>> -> memref<512xf32, #tpu.memory_space<hbm>>
      %dma_start3A_224 = tpu.memref_slice %arg4[%mul3A_221] : memref<1048576xf32, #tpu.memory_space<hbm>> -> memref<512xf32, #tpu.memory_space<hbm>>
      %dma_start3A_225 = tpu.memref_slice %arg5[%mul3A_214] : memref<26624xf32, #tpu.memory_space<vmem>> -> memref<512xf32, #tpu.memory_space<vmem>>
      tpu.enqueue_dma source(%dma_start3A_225 : memref<512xf32, #tpu.memory_space<vmem>>) target(%dma_start3A_224 : memref<512xf32, #tpu.memory_space<hbm>>) target_semaphore(%arg7 : memref<!tpu.dma_semaphore, #tpu.memory_space<semaphore_mem>>)
      %slice3A_226 = vector.extract_strided_slice %get3A_138 {offsets = [6], sizes = [1], strides = [1]} : vector<16xi32> to vector<1xi32>
      %squeeze3A_227 = vector.extract %slice3A_226[0] : i32 from vector<1xi32>
      %mul3A_228 = arith.constant 512 : i32
      %mul3A_229 = arith.muli %squeeze3A_227, %mul3A_228 : i32
      %mul3A_230 = arith.constant 16 : i32
      %mul3A_231 = arith.muli %scan3A_135, %mul3A_230 : i32
      %add3A_232 = arith.addi %mul3A_2, %mul3A_231 : i32
      %add3A_233 = arith.constant 6 : i32
      %add3A_234 = arith.addi %add3A_232, %add3A_233 : i32
      %mul3A_235 = arith.constant 512 : i32
      %mul3A_236 = arith.muli %add3A_234, %mul3A_235 : i32
      %dma_start3A_237 = tpu.memref_slice %arg5[%mul3A_229] : memref<26624xf32, #tpu.memory_space<vmem>> -> memref<512xf32, #tpu.memory_space<vmem>>
      %dma_start3A_238 = tpu.memref_slice %arg4[%mul3A_236] : memref<1048576xf32, #tpu.memory_space<hbm>> -> memref<512xf32, #tpu.memory_space<hbm>>
      %dma_start3A_239 = tpu.memref_slice %arg4[%mul3A_236] : memref<1048576xf32, #tpu.memory_space<hbm>> -> memref<512xf32, #tpu.memory_space<hbm>>
      %dma_start3A_240 = tpu.memref_slice %arg5[%mul3A_229] : memref<26624xf32, #tpu.memory_space<vmem>> -> memref<512xf32, #tpu.memory_space<vmem>>
      tpu.enqueue_dma source(%dma_start3A_240 : memref<512xf32, #tpu.memory_space<vmem>>) target(%dma_start3A_239 : memref<512xf32, #tpu.memory_space<hbm>>) target_semaphore(%arg7 : memref<!tpu.dma_semaphore, #tpu.memory_space<semaphore_mem>>)
      %slice3A_241 = vector.extract_strided_slice %get3A_138 {offsets = [7], sizes = [1], strides = [1]} : vector<16xi32> to vector<1xi32>
      %squeeze3A_242 = vector.extract %slice3A_241[0] : i32 from vector<1xi32>
      %mul3A_243 = arith.constant 512 : i32
      %mul3A_244 = arith.muli %squeeze3A_242, %mul3A_243 : i32
      %mul3A_245 = arith.constant 16 : i32
      %mul3A_246 = arith.muli %scan3A_135, %mul3A_245 : i32
      %add3A_247 = arith.addi %mul3A_2, %mul3A_246 : i32
      %add3A_248 = arith.constant 7 : i32
      %add3A_249 = arith.addi %add3A_247, %add3A_248 : i32
      %mul3A_250 = arith.constant 512 : i32
      %mul3A_251 = arith.muli %add3A_249, %mul3A_250 : i32
      %dma_start3A_252 = tpu.memref_slice %arg5[%mul3A_244] : memref<26624xf32, #tpu.memory_space<vmem>> -> memref<512xf32, #tpu.memory_space<vmem>>
      %dma_start3A_253 = tpu.memref_slice %arg4[%mul3A_251] : memref<1048576xf32, #tpu.memory_space<hbm>> -> memref<512xf32, #tpu.memory_space<hbm>>
      %dma_start3A_254 = tpu.memref_slice %arg4[%mul3A_251] : memref<1048576xf32, #tpu.memory_space<hbm>> -> memref<512xf32, #tpu.memory_space<hbm>>
      %dma_start3A_255 = tpu.memref_slice %arg5[%mul3A_244] : memref<26624xf32, #tpu.memory_space<vmem>> -> memref<512xf32, #tpu.memory_space<vmem>>
      tpu.enqueue_dma source(%dma_start3A_255 : memref<512xf32, #tpu.memory_space<vmem>>) target(%dma_start3A_254 : memref<512xf32, #tpu.memory_space<hbm>>) target_semaphore(%arg7 : memref<!tpu.dma_semaphore, #tpu.memory_space<semaphore_mem>>)
      %slice3A_256 = vector.extract_strided_slice %get3A_138 {offsets = [8], sizes = [1], strides = [1]} : vector<16xi32> to vector<1xi32>
      %squeeze3A_257 = vector.extract %slice3A_256[0] : i32 from vector<1xi32>
      %mul3A_258 = arith.constant 512 : i32
      %mul3A_259 = arith.muli %squeeze3A_257, %mul3A_258 : i32
      %mul3A_260 = arith.constant 16 : i32
      %mul3A_261 = arith.muli %scan3A_135, %mul3A_260 : i32
      %add3A_262 = arith.addi %mul3A_2, %mul3A_261 : i32
      %add3A_263 = arith.constant 8 : i32
      %add3A_264 = arith.addi %add3A_262, %add3A_263 : i32
      %mul3A_265 = arith.constant 512 : i32
      %mul3A_266 = arith.muli %add3A_264, %mul3A_265 : i32
      %dma_start3A_267 = tpu.memref_slice %arg5[%mul3A_259] : memref<26624xf32, #tpu.memory_space<vmem>> -> memref<512xf32, #tpu.memory_space<vmem>>
      %dma_start3A_268 = tpu.memref_slice %arg4[%mul3A_266] : memref<1048576xf32, #tpu.memory_space<hbm>> -> memref<512xf32, #tpu.memory_space<hbm>>
      %dma_start3A_269 = tpu.memref_slice %arg4[%mul3A_266] : memref<1048576xf32, #tpu.memory_space<hbm>> -> memref<512xf32, #tpu.memory_space<hbm>>
      %dma_start3A_270 = tpu.memref_slice %arg5[%mul3A_259] : memref<26624xf32, #tpu.memory_space<vmem>> -> memref<512xf32, #tpu.memory_space<vmem>>
      tpu.enqueue_dma source(%dma_start3A_270 : memref<512xf32, #tpu.memory_space<vmem>>) target(%dma_start3A_269 : memref<512xf32, #tpu.memory_space<hbm>>) target_semaphore(%arg7 : memref<!tpu.dma_semaphore, #tpu.memory_space<semaphore_mem>>)
      %slice3A_271 = vector.extract_strided_slice %get3A_138 {offsets = [9], sizes = [1], strides = [1]} : vector<16xi32> to vector<1xi32>
      %squeeze3A_272 = vector.extract %slice3A_271[0] : i32 from vector<1xi32>
      %mul3A_273 = arith.constant 512 : i32
      %mul3A_274 = arith.muli %squeeze3A_272, %mul3A_273 : i32
      %mul3A_275 = arith.constant 16 : i32
      %mul3A_276 = arith.muli %scan3A_135, %mul3A_275 : i32
      %add3A_277 = arith.addi %mul3A_2, %mul3A_276 : i32
      %add3A_278 = arith.constant 9 : i32
      %add3A_279 = arith.addi %add3A_277, %add3A_278 : i32
      %mul3A_280 = arith.constant 512 : i32
      %mul3A_281 = arith.muli %add3A_279, %mul3A_280 : i32
      %dma_start3A_282 = tpu.memref_slice %arg5[%mul3A_274] : memref<26624xf32, #tpu.memory_space<vmem>> -> memref<512xf32, #tpu.memory_space<vmem>>
      %dma_start3A_283 = tpu.memref_slice %arg4[%mul3A_281] : memref<1048576xf32, #tpu.memory_space<hbm>> -> memref<512xf32, #tpu.memory_space<hbm>>
      %dma_start3A_284 = tpu.memref_slice %arg4[%mul3A_281] : memref<1048576xf32, #tpu.memory_space<hbm>> -> memref<512xf32, #tpu.memory_space<hbm>>
      %dma_start3A_285 = tpu.memref_slice %arg5[%mul3A_274] : memref<26624xf32, #tpu.memory_space<vmem>> -> memref<512xf32, #tpu.memory_space<vmem>>
      tpu.enqueue_dma source(%dma_start3A_285 : memref<512xf32, #tpu.memory_space<vmem>>) target(%dma_start3A_284 : memref<512xf32, #tpu.memory_space<hbm>>) target_semaphore(%arg7 : memref<!tpu.dma_semaphore, #tpu.memory_space<semaphore_mem>>)
      %slice3A_286 = vector.extract_strided_slice %get3A_138 {offsets = [10], sizes = [1], strides = [1]} : vector<16xi32> to vector<1xi32>
      %squeeze3A_287 = vector.extract %slice3A_286[0] : i32 from vector<1xi32>
      %mul3A_288 = arith.constant 512 : i32
      %mul3A_289 = arith.muli %squeeze3A_287, %mul3A_288 : i32
      %mul3A_290 = arith.constant 16 : i32
      %mul3A_291 = arith.muli %scan3A_135, %mul3A_290 : i32
      %add3A_292 = arith.addi %mul3A_2, %mul3A_291 : i32
      %add3A_293 = arith.constant 10 : i32
      %add3A_294 = arith.addi %add3A_292, %add3A_293 : i32
      %mul3A_295 = arith.constant 512 : i32
      %mul3A_296 = arith.muli %add3A_294, %mul3A_295 : i32
      %dma_start3A_297 = tpu.memref_slice %arg5[%mul3A_289] : memref<26624xf32, #tpu.memory_space<vmem>> -> memref<512xf32, #tpu.memory_space<vmem>>
      %dma_start3A_298 = tpu.memref_slice %arg4[%mul3A_296] : memref<1048576xf32, #tpu.memory_space<hbm>> -> memref<512xf32, #tpu.memory_space<hbm>>
      %dma_start3A_299 = tpu.memref_slice %arg4[%mul3A_296] : memref<1048576xf32, #tpu.memory_space<hbm>> -> memref<512xf32, #tpu.memory_space<hbm>>
      %dma_start3A_300 = tpu.memref_slice %arg5[%mul3A_289] : memref<26624xf32, #tpu.memory_space<vmem>> -> memref<512xf32, #tpu.memory_space<vmem>>
      tpu.enqueue_dma source(%dma_start3A_300 : memref<512xf32, #tpu.memory_space<vmem>>) target(%dma_start3A_299 : memref<512xf32, #tpu.memory_space<hbm>>) target_semaphore(%arg7 : memref<!tpu.dma_semaphore, #tpu.memory_space<semaphore_mem>>)
      %slice3A_301 = vector.extract_strided_slice %get3A_138 {offsets = [11], sizes = [1], strides = [1]} : vector<16xi32> to vector<1xi32>
      %squeeze3A_302 = vector.extract %slice3A_301[0] : i32 from vector<1xi32>
      %mul3A_303 = arith.constant 512 : i32
      %mul3A_304 = arith.muli %squeeze3A_302, %mul3A_303 : i32
      %mul3A_305 = arith.constant 16 : i32
      %mul3A_306 = arith.muli %scan3A_135, %mul3A_305 : i32
      %add3A_307 = arith.addi %mul3A_2, %mul3A_306 : i32
      %add3A_308 = arith.constant 11 : i32
      %add3A_309 = arith.addi %add3A_307, %add3A_308 : i32
      %mul3A_310 = arith.constant 512 : i32
      %mul3A_311 = arith.muli %add3A_309, %mul3A_310 : i32
      %dma_start3A_312 = tpu.memref_slice %arg5[%mul3A_304] : memref<26624xf32, #tpu.memory_space<vmem>> -> memref<512xf32, #tpu.memory_space<vmem>>
      %dma_start3A_313 = tpu.memref_slice %arg4[%mul3A_311] : memref<1048576xf32, #tpu.memory_space<hbm>> -> memref<512xf32, #tpu.memory_space<hbm>>
      %dma_start3A_314 = tpu.memref_slice %arg4[%mul3A_311] : memref<1048576xf32, #tpu.memory_space<hbm>> -> memref<512xf32, #tpu.memory_space<hbm>>
      %dma_start3A_315 = tpu.memref_slice %arg5[%mul3A_304] : memref<26624xf32, #tpu.memory_space<vmem>> -> memref<512xf32, #tpu.memory_space<vmem>>
      tpu.enqueue_dma source(%dma_start3A_315 : memref<512xf32, #tpu.memory_space<vmem>>) target(%dma_start3A_314 : memref<512xf32, #tpu.memory_space<hbm>>) target_semaphore(%arg7 : memref<!tpu.dma_semaphore, #tpu.memory_space<semaphore_mem>>)
      %slice3A_316 = vector.extract_strided_slice %get3A_138 {offsets = [12], sizes = [1], strides = [1]} : vector<16xi32> to vector<1xi32>
      %squeeze3A_317 = vector.extract %slice3A_316[0] : i32 from vector<1xi32>
      %mul3A_318 = arith.constant 512 : i32
      %mul3A_319 = arith.muli %squeeze3A_317, %mul3A_318 : i32
      %mul3A_320 = arith.constant 16 : i32
      %mul3A_321 = arith.muli %scan3A_135, %mul3A_320 : i32
      %add3A_322 = arith.addi %mul3A_2, %mul3A_321 : i32
      %add3A_323 = arith.constant 12 : i32
      %add3A_324 = arith.addi %add3A_322, %add3A_323 : i32
      %mul3A_325 = arith.constant 512 : i32
      %mul3A_326 = arith.muli %add3A_324, %mul3A_325 : i32
      %dma_start3A_327 = tpu.memref_slice %arg5[%mul3A_319] : memref<26624xf32, #tpu.memory_space<vmem>> -> memref<512xf32, #tpu.memory_space<vmem>>
      %dma_start3A_328 = tpu.memref_slice %arg4[%mul3A_326] : memref<1048576xf32, #tpu.memory_space<hbm>> -> memref<512xf32, #tpu.memory_space<hbm>>
      %dma_start3A_329 = tpu.memref_slice %arg4[%mul3A_326] : memref<1048576xf32, #tpu.memory_space<hbm>> -> memref<512xf32, #tpu.memory_space<hbm>>
      %dma_start3A_330 = tpu.memref_slice %arg5[%mul3A_319] : memref<26624xf32, #tpu.memory_space<vmem>> -> memref<512xf32, #tpu.memory_space<vmem>>
      tpu.enqueue_dma source(%dma_start3A_330 : memref<512xf32, #tpu.memory_space<vmem>>) target(%dma_start3A_329 : memref<512xf32, #tpu.memory_space<hbm>>) target_semaphore(%arg7 : memref<!tpu.dma_semaphore, #tpu.memory_space<semaphore_mem>>)
      %slice3A_331 = vector.extract_strided_slice %get3A_138 {offsets = [13], sizes = [1], strides = [1]} : vector<16xi32> to vector<1xi32>
      %squeeze3A_332 = vector.extract %slice3A_331[0] : i32 from vector<1xi32>
      %mul3A_333 = arith.constant 512 : i32
      %mul3A_334 = arith.muli %squeeze3A_332, %mul3A_333 : i32
      %mul3A_335 = arith.constant 16 : i32
      %mul3A_336 = arith.muli %scan3A_135, %mul3A_335 : i32
      %add3A_337 = arith.addi %mul3A_2, %mul3A_336 : i32
      %add3A_338 = arith.constant 13 : i32
      %add3A_339 = arith.addi %add3A_337, %add3A_338 : i32
      %mul3A_340 = arith.constant 512 : i32
      %mul3A_341 = arith.muli %add3A_339, %mul3A_340 : i32
      %dma_start3A_342 = tpu.memref_slice %arg5[%mul3A_334] : memref<26624xf32, #tpu.memory_space<vmem>> -> memref<512xf32, #tpu.memory_space<vmem>>
      %dma_start3A_343 = tpu.memref_slice %arg4[%mul3A_341] : memref<1048576xf32, #tpu.memory_space<hbm>> -> memref<512xf32, #tpu.memory_space<hbm>>
      %dma_start3A_344 = tpu.memref_slice %arg4[%mul3A_341] : memref<1048576xf32, #tpu.memory_space<hbm>> -> memref<512xf32, #tpu.memory_space<hbm>>
      %dma_start3A_345 = tpu.memref_slice %arg5[%mul3A_334] : memref<26624xf32, #tpu.memory_space<vmem>> -> memref<512xf32, #tpu.memory_space<vmem>>
      tpu.enqueue_dma source(%dma_start3A_345 : memref<512xf32, #tpu.memory_space<vmem>>) target(%dma_start3A_344 : memref<512xf32, #tpu.memory_space<hbm>>) target_semaphore(%arg7 : memref<!tpu.dma_semaphore, #tpu.memory_space<semaphore_mem>>)
      %slice3A_346 = vector.extract_strided_slice %get3A_138 {offsets = [14], sizes = [1], strides = [1]} : vector<16xi32> to vector<1xi32>
      %squeeze3A_347 = vector.extract %slice3A_346[0] : i32 from vector<1xi32>
      %mul3A_348 = arith.constant 512 : i32
      %mul3A_349 = arith.muli %squeeze3A_347, %mul3A_348 : i32
      %mul3A_350 = arith.constant 16 : i32
      %mul3A_351 = arith.muli %scan3A_135, %mul3A_350 : i32
      %add3A_352 = arith.addi %mul3A_2, %mul3A_351 : i32
      %add3A_353 = arith.constant 14 : i32
      %add3A_354 = arith.addi %add3A_352, %add3A_353 : i32
      %mul3A_355 = arith.constant 512 : i32
      %mul3A_356 = arith.muli %add3A_354, %mul3A_355 : i32
      %dma_start3A_357 = tpu.memref_slice %arg5[%mul3A_349] : memref<26624xf32, #tpu.memory_space<vmem>> -> memref<512xf32, #tpu.memory_space<vmem>>
      %dma_start3A_358 = tpu.memref_slice %arg4[%mul3A_356] : memref<1048576xf32, #tpu.memory_space<hbm>> -> memref<512xf32, #tpu.memory_space<hbm>>
      %dma_start3A_359 = tpu.memref_slice %arg4[%mul3A_356] : memref<1048576xf32, #tpu.memory_space<hbm>> -> memref<512xf32, #tpu.memory_space<hbm>>
      %dma_start3A_360 = tpu.memref_slice %arg5[%mul3A_349] : memref<26624xf32, #tpu.memory_space<vmem>> -> memref<512xf32, #tpu.memory_space<vmem>>
      tpu.enqueue_dma source(%dma_start3A_360 : memref<512xf32, #tpu.memory_space<vmem>>) target(%dma_start3A_359 : memref<512xf32, #tpu.memory_space<hbm>>) target_semaphore(%arg7 : memref<!tpu.dma_semaphore, #tpu.memory_space<semaphore_mem>>)
      %slice3A_361 = vector.extract_strided_slice %get3A_138 {offsets = [15], sizes = [1], strides = [1]} : vector<16xi32> to vector<1xi32>
      %squeeze3A_362 = vector.extract %slice3A_361[0] : i32 from vector<1xi32>
      %mul3A_363 = arith.constant 512 : i32
      %mul3A_364 = arith.muli %squeeze3A_362, %mul3A_363 : i32
      %mul3A_365 = arith.constant 16 : i32
      %mul3A_366 = arith.muli %scan3A_135, %mul3A_365 : i32
      %add3A_367 = arith.addi %mul3A_2, %mul3A_366 : i32
      %add3A_368 = arith.constant 15 : i32
      %add3A_369 = arith.addi %add3A_367, %add3A_368 : i32
      %mul3A_370 = arith.constant 512 : i32
      %mul3A_371 = arith.muli %add3A_369, %mul3A_370 : i32
      %dma_start3A_372 = tpu.memref_slice %arg5[%mul3A_364] : memref<26624xf32, #tpu.memory_space<vmem>> -> memref<512xf32, #tpu.memory_space<vmem>>
      %dma_start3A_373 = tpu.memref_slice %arg4[%mul3A_371] : memref<1048576xf32, #tpu.memory_space<hbm>> -> memref<512xf32, #tpu.memory_space<hbm>>
      %dma_start3A_374 = tpu.memref_slice %arg4[%mul3A_371] : memref<1048576xf32, #tpu.memory_space<hbm>> -> memref<512xf32, #tpu.memory_space<hbm>>
      %dma_start3A_375 = tpu.memref_slice %arg5[%mul3A_364] : memref<26624xf32, #tpu.memory_space<vmem>> -> memref<512xf32, #tpu.memory_space<vmem>>
      tpu.enqueue_dma source(%dma_start3A_375 : memref<512xf32, #tpu.memory_space<vmem>>) target(%dma_start3A_374 : memref<512xf32, #tpu.memory_space<hbm>>) target_semaphore(%arg7 : memref<!tpu.dma_semaphore, #tpu.memory_space<semaphore_mem>>)
      %ge3A = arith.constant 1 : i32
      %ge3A_376 = arith.cmpi sge, %scan3A_135, %ge3A : i32
      %convert_element_type3A = arith.extui %ge3A_376 : i1 to i32
      %cond3A = arith.constant 0 : i32
      %cond3A_377 = arith.cmpi ne, %convert_element_type3A, %cond3A : i32
      scf.if %cond3A_377 {
        %mul3A_378 = arith.constant 512 : i32
        %mul3A_379 = arith.muli %mul3A_2, %mul3A_378 : i32
        %dma_wait3A_380 = arith.constant 0 : i32
        %dma_wait3A_381 = tpu.memref_slice %arg5[%dma_wait3A_380] : memref<26624xf32, #tpu.memory_space<vmem>> -> memref<512xf32, #tpu.memory_space<vmem>>
        %dma_wait3A_382 = tpu.memref_slice %arg4[%mul3A_379] : memref<1048576xf32, #tpu.memory_space<hbm>> -> memref<512xf32, #tpu.memory_space<hbm>>
        %dma_wait3A_383 = tpu.memref_slice %arg4[%mul3A_379] : memref<1048576xf32, #tpu.memory_space<hbm>> -> memref<512xf32, #tpu.memory_space<hbm>>
        %dma_wait3A_384 = arith.constant 0 : i32
        %dma_wait3A_385 = tpu.memref_slice %arg5[%dma_wait3A_384] : memref<26624xf32, #tpu.memory_space<vmem>> -> memref<512xf32, #tpu.memory_space<vmem>>
        tpu.wait_dma2 semaphore(%arg7 : memref<!tpu.dma_semaphore, #tpu.memory_space<semaphore_mem>>) src(%dma_wait3A_385 : memref<512xf32, #tpu.memory_space<vmem>>) dst(%dma_wait3A_383 : memref<512xf32, #tpu.memory_space<hbm>>)
        %mul3A_386 = arith.constant 512 : i32
        %mul3A_387 = arith.muli %mul3A_2, %mul3A_386 : i32
        %dma_wait3A_388 = arith.constant 0 : i32
        %dma_wait3A_389 = tpu.memref_slice %arg5[%dma_wait3A_388] : memref<26624xf32, #tpu.memory_space<vmem>> -> memref<512xf32, #tpu.memory_space<vmem>>
        %dma_wait3A_390 = tpu.memref_slice %arg4[%mul3A_387] : memref<1048576xf32, #tpu.memory_space<hbm>> -> memref<512xf32, #tpu.memory_space<hbm>>
        %dma_wait3A_391 = tpu.memref_slice %arg4[%mul3A_387] : memref<1048576xf32, #tpu.memory_space<hbm>> -> memref<512xf32, #tpu.memory_space<hbm>>
        %dma_wait3A_392 = arith.constant 0 : i32
        %dma_wait3A_393 = tpu.memref_slice %arg5[%dma_wait3A_392] : memref<26624xf32, #tpu.memory_space<vmem>> -> memref<512xf32, #tpu.memory_space<vmem>>
        tpu.wait_dma2 semaphore(%arg7 : memref<!tpu.dma_semaphore, #tpu.memory_space<semaphore_mem>>) src(%dma_wait3A_393 : memref<512xf32, #tpu.memory_space<vmem>>) dst(%dma_wait3A_391 : memref<512xf32, #tpu.memory_space<hbm>>)
        %mul3A_394 = arith.constant 512 : i32
        %mul3A_395 = arith.muli %mul3A_2, %mul3A_394 : i32
        %dma_wait3A_396 = arith.constant 0 : i32
        %dma_wait3A_397 = tpu.memref_slice %arg5[%dma_wait3A_396] : memref<26624xf32, #tpu.memory_space<vmem>> -> memref<512xf32, #tpu.memory_space<vmem>>
        %dma_wait3A_398 = tpu.memref_slice %arg4[%mul3A_395] : memref<1048576xf32, #tpu.memory_space<hbm>> -> memref<512xf32, #tpu.memory_space<hbm>>
        %dma_wait3A_399 = tpu.memref_slice %arg4[%mul3A_395] : memref<1048576xf32, #tpu.memory_space<hbm>> -> memref<512xf32, #tpu.memory_space<hbm>>
        %dma_wait3A_400 = arith.constant 0 : i32
        %dma_wait3A_401 = tpu.memref_slice %arg5[%dma_wait3A_400] : memref<26624xf32, #tpu.memory_space<vmem>> -> memref<512xf32, #tpu.memory_space<vmem>>
        tpu.wait_dma2 semaphore(%arg7 : memref<!tpu.dma_semaphore, #tpu.memory_space<semaphore_mem>>) src(%dma_wait3A_401 : memref<512xf32, #tpu.memory_space<vmem>>) dst(%dma_wait3A_399 : memref<512xf32, #tpu.memory_space<hbm>>)
        %mul3A_402 = arith.constant 512 : i32
        %mul3A_403 = arith.muli %mul3A_2, %mul3A_402 : i32
        %dma_wait3A_404 = arith.constant 0 : i32
        %dma_wait3A_405 = tpu.memref_slice %arg5[%dma_wait3A_404] : memref<26624xf32, #tpu.memory_space<vmem>> -> memref<512xf32, #tpu.memory_space<vmem>>
        %dma_wait3A_406 = tpu.memref_slice %arg4[%mul3A_403] : memref<1048576xf32, #tpu.memory_space<hbm>> -> memref<512xf32, #tpu.memory_space<hbm>>
        %dma_wait3A_407 = tpu.memref_slice %arg4[%mul3A_403] : memref<1048576xf32, #tpu.memory_space<hbm>> -> memref<512xf32, #tpu.memory_space<hbm>>
        %dma_wait3A_408 = arith.constant 0 : i32
        %dma_wait3A_409 = tpu.memref_slice %arg5[%dma_wait3A_408] : memref<26624xf32, #tpu.memory_space<vmem>> -> memref<512xf32, #tpu.memory_space<vmem>>
        tpu.wait_dma2 semaphore(%arg7 : memref<!tpu.dma_semaphore, #tpu.memory_space<semaphore_mem>>) src(%dma_wait3A_409 : memref<512xf32, #tpu.memory_space<vmem>>) dst(%dma_wait3A_407 : memref<512xf32, #tpu.memory_space<hbm>>)
        %mul3A_410 = arith.constant 512 : i32
        %mul3A_411 = arith.muli %mul3A_2, %mul3A_410 : i32
        %dma_wait3A_412 = arith.constant 0 : i32
        %dma_wait3A_413 = tpu.memref_slice %arg5[%dma_wait3A_412] : memref<26624xf32, #tpu.memory_space<vmem>> -> memref<512xf32, #tpu.memory_space<vmem>>
        %dma_wait3A_414 = tpu.memref_slice %arg4[%mul3A_411] : memref<1048576xf32, #tpu.memory_space<hbm>> -> memref<512xf32, #tpu.memory_space<hbm>>
        %dma_wait3A_415 = tpu.memref_slice %arg4[%mul3A_411] : memref<1048576xf32, #tpu.memory_space<hbm>> -> memref<512xf32, #tpu.memory_space<hbm>>
        %dma_wait3A_416 = arith.constant 0 : i32
        %dma_wait3A_417 = tpu.memref_slice %arg5[%dma_wait3A_416] : memref<26624xf32, #tpu.memory_space<vmem>> -> memref<512xf32, #tpu.memory_space<vmem>>
        tpu.wait_dma2 semaphore(%arg7 : memref<!tpu.dma_semaphore, #tpu.memory_space<semaphore_mem>>) src(%dma_wait3A_417 : memref<512xf32, #tpu.memory_space<vmem>>) dst(%dma_wait3A_415 : memref<512xf32, #tpu.memory_space<hbm>>)
        %mul3A_418 = arith.constant 512 : i32
        %mul3A_419 = arith.muli %mul3A_2, %mul3A_418 : i32
        %dma_wait3A_420 = arith.constant 0 : i32
        %dma_wait3A_421 = tpu.memref_slice %arg5[%dma_wait3A_420] : memref<26624xf32, #tpu.memory_space<vmem>> -> memref<512xf32, #tpu.memory_space<vmem>>
        %dma_wait3A_422 = tpu.memref_slice %arg4[%mul3A_419] : memref<1048576xf32, #tpu.memory_space<hbm>> -> memref<512xf32, #tpu.memory_space<hbm>>
        %dma_wait3A_423 = tpu.memref_slice %arg4[%mul3A_419] : memref<1048576xf32, #tpu.memory_space<hbm>> -> memref<512xf32, #tpu.memory_space<hbm>>
        %dma_wait3A_424 = arith.constant 0 : i32
        %dma_wait3A_425 = tpu.memref_slice %arg5[%dma_wait3A_424] : memref<26624xf32, #tpu.memory_space<vmem>> -> memref<512xf32, #tpu.memory_space<vmem>>
        tpu.wait_dma2 semaphore(%arg7 : memref<!tpu.dma_semaphore, #tpu.memory_space<semaphore_mem>>) src(%dma_wait3A_425 : memref<512xf32, #tpu.memory_space<vmem>>) dst(%dma_wait3A_423 : memref<512xf32, #tpu.memory_space<hbm>>)
        %mul3A_426 = arith.constant 512 : i32
        %mul3A_427 = arith.muli %mul3A_2, %mul3A_426 : i32
        %dma_wait3A_428 = arith.constant 0 : i32
        %dma_wait3A_429 = tpu.memref_slice %arg5[%dma_wait3A_428] : memref<26624xf32, #tpu.memory_space<vmem>> -> memref<512xf32, #tpu.memory_space<vmem>>
        %dma_wait3A_430 = tpu.memref_slice %arg4[%mul3A_427] : memref<1048576xf32, #tpu.memory_space<hbm>> -> memref<512xf32, #tpu.memory_space<hbm>>
        %dma_wait3A_431 = tpu.memref_slice %arg4[%mul3A_427] : memref<1048576xf32, #tpu.memory_space<hbm>> -> memref<512xf32, #tpu.memory_space<hbm>>
        %dma_wait3A_432 = arith.constant 0 : i32
        %dma_wait3A_433 = tpu.memref_slice %arg5[%dma_wait3A_432] : memref<26624xf32, #tpu.memory_space<vmem>> -> memref<512xf32, #tpu.memory_space<vmem>>
        tpu.wait_dma2 semaphore(%arg7 : memref<!tpu.dma_semaphore, #tpu.memory_space<semaphore_mem>>) src(%dma_wait3A_433 : memref<512xf32, #tpu.memory_space<vmem>>) dst(%dma_wait3A_431 : memref<512xf32, #tpu.memory_space<hbm>>)
        %mul3A_434 = arith.constant 512 : i32
        %mul3A_435 = arith.muli %mul3A_2, %mul3A_434 : i32
        %dma_wait3A_436 = arith.constant 0 : i32
        %dma_wait3A_437 = tpu.memref_slice %arg5[%dma_wait3A_436] : memref<26624xf32, #tpu.memory_space<vmem>> -> memref<512xf32, #tpu.memory_space<vmem>>
        %dma_wait3A_438 = tpu.memref_slice %arg4[%mul3A_435] : memref<1048576xf32, #tpu.memory_space<hbm>> -> memref<512xf32, #tpu.memory_space<hbm>>
        %dma_wait3A_439 = tpu.memref_slice %arg4[%mul3A_435] : memref<1048576xf32, #tpu.memory_space<hbm>> -> memref<512xf32, #tpu.memory_space<hbm>>
        %dma_wait3A_440 = arith.constant 0 : i32
        %dma_wait3A_441 = tpu.memref_slice %arg5[%dma_wait3A_440] : memref<26624xf32, #tpu.memory_space<vmem>> -> memref<512xf32, #tpu.memory_space<vmem>>
        tpu.wait_dma2 semaphore(%arg7 : memref<!tpu.dma_semaphore, #tpu.memory_space<semaphore_mem>>) src(%dma_wait3A_441 : memref<512xf32, #tpu.memory_space<vmem>>) dst(%dma_wait3A_439 : memref<512xf32, #tpu.memory_space<hbm>>)
        %mul3A_442 = arith.constant 512 : i32
        %mul3A_443 = arith.muli %mul3A_2, %mul3A_442 : i32
        %dma_wait3A_444 = arith.constant 0 : i32
        %dma_wait3A_445 = tpu.memref_slice %arg5[%dma_wait3A_444] : memref<26624xf32, #tpu.memory_space<vmem>> -> memref<512xf32, #tpu.memory_space<vmem>>
        %dma_wait3A_446 = tpu.memref_slice %arg4[%mul3A_443] : memref<1048576xf32, #tpu.memory_space<hbm>> -> memref<512xf32, #tpu.memory_space<hbm>>
        %dma_wait3A_447 = tpu.memref_slice %arg4[%mul3A_443] : memref<1048576xf32, #tpu.memory_space<hbm>> -> memref<512xf32, #tpu.memory_space<hbm>>
        %dma_wait3A_448 = arith.constant 0 : i32
        %dma_wait3A_449 = tpu.memref_slice %arg5[%dma_wait3A_448] : memref<26624xf32, #tpu.memory_space<vmem>> -> memref<512xf32, #tpu.memory_space<vmem>>
        tpu.wait_dma2 semaphore(%arg7 : memref<!tpu.dma_semaphore, #tpu.memory_space<semaphore_mem>>) src(%dma_wait3A_449 : memref<512xf32, #tpu.memory_space<vmem>>) dst(%dma_wait3A_447 : memref<512xf32, #tpu.memory_space<hbm>>)
        %mul3A_450 = arith.constant 512 : i32
        %mul3A_451 = arith.muli %mul3A_2, %mul3A_450 : i32
        %dma_wait3A_452 = arith.constant 0 : i32
        %dma_wait3A_453 = tpu.memref_slice %arg5[%dma_wait3A_452] : memref<26624xf32, #tpu.memory_space<vmem>> -> memref<512xf32, #tpu.memory_space<vmem>>
        %dma_wait3A_454 = tpu.memref_slice %arg4[%mul3A_451] : memref<1048576xf32, #tpu.memory_space<hbm>> -> memref<512xf32, #tpu.memory_space<hbm>>
        %dma_wait3A_455 = tpu.memref_slice %arg4[%mul3A_451] : memref<1048576xf32, #tpu.memory_space<hbm>> -> memref<512xf32, #tpu.memory_space<hbm>>
        %dma_wait3A_456 = arith.constant 0 : i32
        %dma_wait3A_457 = tpu.memref_slice %arg5[%dma_wait3A_456] : memref<26624xf32, #tpu.memory_space<vmem>> -> memref<512xf32, #tpu.memory_space<vmem>>
        tpu.wait_dma2 semaphore(%arg7 : memref<!tpu.dma_semaphore, #tpu.memory_space<semaphore_mem>>) src(%dma_wait3A_457 : memref<512xf32, #tpu.memory_space<vmem>>) dst(%dma_wait3A_455 : memref<512xf32, #tpu.memory_space<hbm>>)
        %mul3A_458 = arith.constant 512 : i32
        %mul3A_459 = arith.muli %mul3A_2, %mul3A_458 : i32
        %dma_wait3A_460 = arith.constant 0 : i32
        %dma_wait3A_461 = tpu.memref_slice %arg5[%dma_wait3A_460] : memref<26624xf32, #tpu.memory_space<vmem>> -> memref<512xf32, #tpu.memory_space<vmem>>
        %dma_wait3A_462 = tpu.memref_slice %arg4[%mul3A_459] : memref<1048576xf32, #tpu.memory_space<hbm>> -> memref<512xf32, #tpu.memory_space<hbm>>
        %dma_wait3A_463 = tpu.memref_slice %arg4[%mul3A_459] : memref<1048576xf32, #tpu.memory_space<hbm>> -> memref<512xf32, #tpu.memory_space<hbm>>
        %dma_wait3A_464 = arith.constant 0 : i32
        %dma_wait3A_465 = tpu.memref_slice %arg5[%dma_wait3A_464] : memref<26624xf32, #tpu.memory_space<vmem>> -> memref<512xf32, #tpu.memory_space<vmem>>
        tpu.wait_dma2 semaphore(%arg7 : memref<!tpu.dma_semaphore, #tpu.memory_space<semaphore_mem>>) src(%dma_wait3A_465 : memref<512xf32, #tpu.memory_space<vmem>>) dst(%dma_wait3A_463 : memref<512xf32, #tpu.memory_space<hbm>>)
        %mul3A_466 = arith.constant 512 : i32
        %mul3A_467 = arith.muli %mul3A_2, %mul3A_466 : i32
        %dma_wait3A_468 = arith.constant 0 : i32
        %dma_wait3A_469 = tpu.memref_slice %arg5[%dma_wait3A_468] : memref<26624xf32, #tpu.memory_space<vmem>> -> memref<512xf32, #tpu.memory_space<vmem>>
        %dma_wait3A_470 = tpu.memref_slice %arg4[%mul3A_467] : memref<1048576xf32, #tpu.memory_space<hbm>> -> memref<512xf32, #tpu.memory_space<hbm>>
        %dma_wait3A_471 = tpu.memref_slice %arg4[%mul3A_467] : memref<1048576xf32, #tpu.memory_space<hbm>> -> memref<512xf32, #tpu.memory_space<hbm>>
        %dma_wait3A_472 = arith.constant 0 : i32
        %dma_wait3A_473 = tpu.memref_slice %arg5[%dma_wait3A_472] : memref<26624xf32, #tpu.memory_space<vmem>> -> memref<512xf32, #tpu.memory_space<vmem>>
        tpu.wait_dma2 semaphore(%arg7 : memref<!tpu.dma_semaphore, #tpu.memory_space<semaphore_mem>>) src(%dma_wait3A_473 : memref<512xf32, #tpu.memory_space<vmem>>) dst(%dma_wait3A_471 : memref<512xf32, #tpu.memory_space<hbm>>)
        %mul3A_474 = arith.constant 512 : i32
        %mul3A_475 = arith.muli %mul3A_2, %mul3A_474 : i32
        %dma_wait3A_476 = arith.constant 0 : i32
        %dma_wait3A_477 = tpu.memref_slice %arg5[%dma_wait3A_476] : memref<26624xf32, #tpu.memory_space<vmem>> -> memref<512xf32, #tpu.memory_space<vmem>>
        %dma_wait3A_478 = tpu.memref_slice %arg4[%mul3A_475] : memref<1048576xf32, #tpu.memory_space<hbm>> -> memref<512xf32, #tpu.memory_space<hbm>>
        %dma_wait3A_479 = tpu.memref_slice %arg4[%mul3A_475] : memref<1048576xf32, #tpu.memory_space<hbm>> -> memref<512xf32, #tpu.memory_space<hbm>>
        %dma_wait3A_480 = arith.constant 0 : i32
        %dma_wait3A_481 = tpu.memref_slice %arg5[%dma_wait3A_480] : memref<26624xf32, #tpu.memory_space<vmem>> -> memref<512xf32, #tpu.memory_space<vmem>>
        tpu.wait_dma2 semaphore(%arg7 : memref<!tpu.dma_semaphore, #tpu.memory_space<semaphore_mem>>) src(%dma_wait3A_481 : memref<512xf32, #tpu.memory_space<vmem>>) dst(%dma_wait3A_479 : memref<512xf32, #tpu.memory_space<hbm>>)
        %mul3A_482 = arith.constant 512 : i32
        %mul3A_483 = arith.muli %mul3A_2, %mul3A_482 : i32
        %dma_wait3A_484 = arith.constant 0 : i32
        %dma_wait3A_485 = tpu.memref_slice %arg5[%dma_wait3A_484] : memref<26624xf32, #tpu.memory_space<vmem>> -> memref<512xf32, #tpu.memory_space<vmem>>
        %dma_wait3A_486 = tpu.memref_slice %arg4[%mul3A_483] : memref<1048576xf32, #tpu.memory_space<hbm>> -> memref<512xf32, #tpu.memory_space<hbm>>
        %dma_wait3A_487 = tpu.memref_slice %arg4[%mul3A_483] : memref<1048576xf32, #tpu.memory_space<hbm>> -> memref<512xf32, #tpu.memory_space<hbm>>
        %dma_wait3A_488 = arith.constant 0 : i32
        %dma_wait3A_489 = tpu.memref_slice %arg5[%dma_wait3A_488] : memref<26624xf32, #tpu.memory_space<vmem>> -> memref<512xf32, #tpu.memory_space<vmem>>
        tpu.wait_dma2 semaphore(%arg7 : memref<!tpu.dma_semaphore, #tpu.memory_space<semaphore_mem>>) src(%dma_wait3A_489 : memref<512xf32, #tpu.memory_space<vmem>>) dst(%dma_wait3A_487 : memref<512xf32, #tpu.memory_space<hbm>>)
        %mul3A_490 = arith.constant 512 : i32
        %mul3A_491 = arith.muli %mul3A_2, %mul3A_490 : i32
        %dma_wait3A_492 = arith.constant 0 : i32
        %dma_wait3A_493 = tpu.memref_slice %arg5[%dma_wait3A_492] : memref<26624xf32, #tpu.memory_space<vmem>> -> memref<512xf32, #tpu.memory_space<vmem>>
        %dma_wait3A_494 = tpu.memref_slice %arg4[%mul3A_491] : memref<1048576xf32, #tpu.memory_space<hbm>> -> memref<512xf32, #tpu.memory_space<hbm>>
        %dma_wait3A_495 = tpu.memref_slice %arg4[%mul3A_491] : memref<1048576xf32, #tpu.memory_space<hbm>> -> memref<512xf32, #tpu.memory_space<hbm>>
        %dma_wait3A_496 = arith.constant 0 : i32
        %dma_wait3A_497 = tpu.memref_slice %arg5[%dma_wait3A_496] : memref<26624xf32, #tpu.memory_space<vmem>> -> memref<512xf32, #tpu.memory_space<vmem>>
        tpu.wait_dma2 semaphore(%arg7 : memref<!tpu.dma_semaphore, #tpu.memory_space<semaphore_mem>>) src(%dma_wait3A_497 : memref<512xf32, #tpu.memory_space<vmem>>) dst(%dma_wait3A_495 : memref<512xf32, #tpu.memory_space<hbm>>)
        %mul3A_498 = arith.constant 512 : i32
        %mul3A_499 = arith.muli %mul3A_2, %mul3A_498 : i32
        %dma_wait3A_500 = arith.constant 0 : i32
        %dma_wait3A_501 = tpu.memref_slice %arg5[%dma_wait3A_500] : memref<26624xf32, #tpu.memory_space<vmem>> -> memref<512xf32, #tpu.memory_space<vmem>>
        %dma_wait3A_502 = tpu.memref_slice %arg4[%mul3A_499] : memref<1048576xf32, #tpu.memory_space<hbm>> -> memref<512xf32, #tpu.memory_space<hbm>>
        %dma_wait3A_503 = tpu.memref_slice %arg4[%mul3A_499] : memref<1048576xf32, #tpu.memory_space<hbm>> -> memref<512xf32, #tpu.memory_space<hbm>>
        %dma_wait3A_504 = arith.constant 0 : i32
        %dma_wait3A_505 = tpu.memref_slice %arg5[%dma_wait3A_504] : memref<26624xf32, #tpu.memory_space<vmem>> -> memref<512xf32, #tpu.memory_space<vmem>>
        tpu.wait_dma2 semaphore(%arg7 : memref<!tpu.dma_semaphore, #tpu.memory_space<semaphore_mem>>) src(%dma_wait3A_505 : memref<512xf32, #tpu.memory_space<vmem>>) dst(%dma_wait3A_503 : memref<512xf32, #tpu.memory_space<hbm>>)
      } else {
      }
    }
    %scan3A_7 = arith.constant 4 : i32
    %mul3A_8 = arith.constant 512 : i32
    %mul3A_9 = arith.muli %mul3A_2, %mul3A_8 : i32
    %dma_wait3A = arith.constant 0 : i32
    %dma_wait3A_10 = tpu.memref_slice %arg5[%dma_wait3A] : memref<26624xf32, #tpu.memory_space<vmem>> -> memref<512xf32, #tpu.memory_space<vmem>>
    %dma_wait3A_11 = tpu.memref_slice %arg4[%mul3A_9] : memref<1048576xf32, #tpu.memory_space<hbm>> -> memref<512xf32, #tpu.memory_space<hbm>>
    %dma_wait3A_12 = tpu.memref_slice %arg4[%mul3A_9] : memref<1048576xf32, #tpu.memory_space<hbm>> -> memref<512xf32, #tpu.memory_space<hbm>>
    %dma_wait3A_13 = arith.constant 0 : i32
    %dma_wait3A_14 = tpu.memref_slice %arg5[%dma_wait3A_13] : memref<26624xf32, #tpu.memory_space<vmem>> -> memref<512xf32, #tpu.memory_space<vmem>>
    tpu.wait_dma2 semaphore(%arg7 : memref<!tpu.dma_semaphore, #tpu.memory_space<semaphore_mem>>) src(%dma_wait3A_14 : memref<512xf32, #tpu.memory_space<vmem>>) dst(%dma_wait3A_12 : memref<512xf32, #tpu.memory_space<hbm>>)
    %mul3A_15 = arith.constant 512 : i32
    %mul3A_16 = arith.muli %mul3A_2, %mul3A_15 : i32
    %dma_wait3A_17 = arith.constant 0 : i32
    %dma_wait3A_18 = tpu.memref_slice %arg5[%dma_wait3A_17] : memref<26624xf32, #tpu.memory_space<vmem>> -> memref<512xf32, #tpu.memory_space<vmem>>
    %dma_wait3A_19 = tpu.memref_slice %arg4[%mul3A_16] : memref<1048576xf32, #tpu.memory_space<hbm>> -> memref<512xf32, #tpu.memory_space<hbm>>
    %dma_wait3A_20 = tpu.memref_slice %arg4[%mul3A_16] : memref<1048576xf32, #tpu.memory_space<hbm>> -> memref<512xf32, #tpu.memory_space<hbm>>
    %dma_wait3A_21 = arith.constant 0 : i32
    %dma_wait3A_22 = tpu.memref_slice %arg5[%dma_wait3A_21] : memref<26624xf32, #tpu.memory_space<vmem>> -> memref<512xf32, #tpu.memory_space<vmem>>
    tpu.wait_dma2 semaphore(%arg7 : memref<!tpu.dma_semaphore, #tpu.memory_space<semaphore_mem>>) src(%dma_wait3A_22 : memref<512xf32, #tpu.memory_space<vmem>>) dst(%dma_wait3A_20 : memref<512xf32, #tpu.memory_space<hbm>>)
    %mul3A_23 = arith.constant 512 : i32
    %mul3A_24 = arith.muli %mul3A_2, %mul3A_23 : i32
    %dma_wait3A_25 = arith.constant 0 : i32
    %dma_wait3A_26 = tpu.memref_slice %arg5[%dma_wait3A_25] : memref<26624xf32, #tpu.memory_space<vmem>> -> memref<512xf32, #tpu.memory_space<vmem>>
    %dma_wait3A_27 = tpu.memref_slice %arg4[%mul3A_24] : memref<1048576xf32, #tpu.memory_space<hbm>> -> memref<512xf32, #tpu.memory_space<hbm>>
    %dma_wait3A_28 = tpu.memref_slice %arg4[%mul3A_24] : memref<1048576xf32, #tpu.memory_space<hbm>> -> memref<512xf32, #tpu.memory_space<hbm>>
    %dma_wait3A_29 = arith.constant 0 : i32
    %dma_wait3A_30 = tpu.memref_slice %arg5[%dma_wait3A_29] : memref<26624xf32, #tpu.memory_space<vmem>> -> memref<512xf32, #tpu.memory_space<vmem>>
    tpu.wait_dma2 semaphore(%arg7 : memref<!tpu.dma_semaphore, #tpu.memory_space<semaphore_mem>>) src(%dma_wait3A_30 : memref<512xf32, #tpu.memory_space<vmem>>) dst(%dma_wait3A_28 : memref<512xf32, #tpu.memory_space<hbm>>)
    %mul3A_31 = arith.constant 512 : i32
    %mul3A_32 = arith.muli %mul3A_2, %mul3A_31 : i32
    %dma_wait3A_33 = arith.constant 0 : i32
    %dma_wait3A_34 = tpu.memref_slice %arg5[%dma_wait3A_33] : memref<26624xf32, #tpu.memory_space<vmem>> -> memref<512xf32, #tpu.memory_space<vmem>>
    %dma_wait3A_35 = tpu.memref_slice %arg4[%mul3A_32] : memref<1048576xf32, #tpu.memory_space<hbm>> -> memref<512xf32, #tpu.memory_space<hbm>>
    %dma_wait3A_36 = tpu.memref_slice %arg4[%mul3A_32] : memref<1048576xf32, #tpu.memory_space<hbm>> -> memref<512xf32, #tpu.memory_space<hbm>>
    %dma_wait3A_37 = arith.constant 0 : i32
    %dma_wait3A_38 = tpu.memref_slice %arg5[%dma_wait3A_37] : memref<26624xf32, #tpu.memory_space<vmem>> -> memref<512xf32, #tpu.memory_space<vmem>>
    tpu.wait_dma2 semaphore(%arg7 : memref<!tpu.dma_semaphore, #tpu.memory_space<semaphore_mem>>) src(%dma_wait3A_38 : memref<512xf32, #tpu.memory_space<vmem>>) dst(%dma_wait3A_36 : memref<512xf32, #tpu.memory_space<hbm>>)
    %mul3A_39 = arith.constant 512 : i32
    %mul3A_40 = arith.muli %mul3A_2, %mul3A_39 : i32
    %dma_wait3A_41 = arith.constant 0 : i32
    %dma_wait3A_42 = tpu.memref_slice %arg5[%dma_wait3A_41] : memref<26624xf32, #tpu.memory_space<vmem>> -> memref<512xf32, #tpu.memory_space<vmem>>
    %dma_wait3A_43 = tpu.memref_slice %arg4[%mul3A_40] : memref<1048576xf32, #tpu.memory_space<hbm>> -> memref<512xf32, #tpu.memory_space<hbm>>
    %dma_wait3A_44 = tpu.memref_slice %arg4[%mul3A_40] : memref<1048576xf32, #tpu.memory_space<hbm>> -> memref<512xf32, #tpu.memory_space<hbm>>
    %dma_wait3A_45 = arith.constant 0 : i32
    %dma_wait3A_46 = tpu.memref_slice %arg5[%dma_wait3A_45] : memref<26624xf32, #tpu.memory_space<vmem>> -> memref<512xf32, #tpu.memory_space<vmem>>
    tpu.wait_dma2 semaphore(%arg7 : memref<!tpu.dma_semaphore, #tpu.memory_space<semaphore_mem>>) src(%dma_wait3A_46 : memref<512xf32, #tpu.memory_space<vmem>>) dst(%dma_wait3A_44 : memref<512xf32, #tpu.memory_space<hbm>>)
    %mul3A_47 = arith.constant 512 : i32
    %mul3A_48 = arith.muli %mul3A_2, %mul3A_47 : i32
    %dma_wait3A_49 = arith.constant 0 : i32
    %dma_wait3A_50 = tpu.memref_slice %arg5[%dma_wait3A_49] : memref<26624xf32, #tpu.memory_space<vmem>> -> memref<512xf32, #tpu.memory_space<vmem>>
    %dma_wait3A_51 = tpu.memref_slice %arg4[%mul3A_48] : memref<1048576xf32, #tpu.memory_space<hbm>> -> memref<512xf32, #tpu.memory_space<hbm>>
    %dma_wait3A_52 = tpu.memref_slice %arg4[%mul3A_48] : memref<1048576xf32, #tpu.memory_space<hbm>> -> memref<512xf32, #tpu.memory_space<hbm>>
    %dma_wait3A_53 = arith.constant 0 : i32
    %dma_wait3A_54 = tpu.memref_slice %arg5[%dma_wait3A_53] : memref<26624xf32, #tpu.memory_space<vmem>> -> memref<512xf32, #tpu.memory_space<vmem>>
    tpu.wait_dma2 semaphore(%arg7 : memref<!tpu.dma_semaphore, #tpu.memory_space<semaphore_mem>>) src(%dma_wait3A_54 : memref<512xf32, #tpu.memory_space<vmem>>) dst(%dma_wait3A_52 : memref<512xf32, #tpu.memory_space<hbm>>)
    %mul3A_55 = arith.constant 512 : i32
    %mul3A_56 = arith.muli %mul3A_2, %mul3A_55 : i32
    %dma_wait3A_57 = arith.constant 0 : i32
    %dma_wait3A_58 = tpu.memref_slice %arg5[%dma_wait3A_57] : memref<26624xf32, #tpu.memory_space<vmem>> -> memref<512xf32, #tpu.memory_space<vmem>>
    %dma_wait3A_59 = tpu.memref_slice %arg4[%mul3A_56] : memref<1048576xf32, #tpu.memory_space<hbm>> -> memref<512xf32, #tpu.memory_space<hbm>>
    %dma_wait3A_60 = tpu.memref_slice %arg4[%mul3A_56] : memref<1048576xf32, #tpu.memory_space<hbm>> -> memref<512xf32, #tpu.memory_space<hbm>>
    %dma_wait3A_61 = arith.constant 0 : i32
    %dma_wait3A_62 = tpu.memref_slice %arg5[%dma_wait3A_61] : memref<26624xf32, #tpu.memory_space<vmem>> -> memref<512xf32, #tpu.memory_space<vmem>>
    tpu.wait_dma2 semaphore(%arg7 : memref<!tpu.dma_semaphore, #tpu.memory_space<semaphore_mem>>) src(%dma_wait3A_62 : memref<512xf32, #tpu.memory_space<vmem>>) dst(%dma_wait3A_60 : memref<512xf32, #tpu.memory_space<hbm>>)
    %mul3A_63 = arith.constant 512 : i32
    %mul3A_64 = arith.muli %mul3A_2, %mul3A_63 : i32
    %dma_wait3A_65 = arith.constant 0 : i32
    %dma_wait3A_66 = tpu.memref_slice %arg5[%dma_wait3A_65] : memref<26624xf32, #tpu.memory_space<vmem>> -> memref<512xf32, #tpu.memory_space<vmem>>
    %dma_wait3A_67 = tpu.memref_slice %arg4[%mul3A_64] : memref<1048576xf32, #tpu.memory_space<hbm>> -> memref<512xf32, #tpu.memory_space<hbm>>
    %dma_wait3A_68 = tpu.memref_slice %arg4[%mul3A_64] : memref<1048576xf32, #tpu.memory_space<hbm>> -> memref<512xf32, #tpu.memory_space<hbm>>
    %dma_wait3A_69 = arith.constant 0 : i32
    %dma_wait3A_70 = tpu.memref_slice %arg5[%dma_wait3A_69] : memref<26624xf32, #tpu.memory_space<vmem>> -> memref<512xf32, #tpu.memory_space<vmem>>
    tpu.wait_dma2 semaphore(%arg7 : memref<!tpu.dma_semaphore, #tpu.memory_space<semaphore_mem>>) src(%dma_wait3A_70 : memref<512xf32, #tpu.memory_space<vmem>>) dst(%dma_wait3A_68 : memref<512xf32, #tpu.memory_space<hbm>>)
    %mul3A_71 = arith.constant 512 : i32
    %mul3A_72 = arith.muli %mul3A_2, %mul3A_71 : i32
    %dma_wait3A_73 = arith.constant 0 : i32
    %dma_wait3A_74 = tpu.memref_slice %arg5[%dma_wait3A_73] : memref<26624xf32, #tpu.memory_space<vmem>> -> memref<512xf32, #tpu.memory_space<vmem>>
    %dma_wait3A_75 = tpu.memref_slice %arg4[%mul3A_72] : memref<1048576xf32, #tpu.memory_space<hbm>> -> memref<512xf32, #tpu.memory_space<hbm>>
    %dma_wait3A_76 = tpu.memref_slice %arg4[%mul3A_72] : memref<1048576xf32, #tpu.memory_space<hbm>> -> memref<512xf32, #tpu.memory_space<hbm>>
    %dma_wait3A_77 = arith.constant 0 : i32
    %dma_wait3A_78 = tpu.memref_slice %arg5[%dma_wait3A_77] : memref<26624xf32, #tpu.memory_space<vmem>> -> memref<512xf32, #tpu.memory_space<vmem>>
    tpu.wait_dma2 semaphore(%arg7 : memref<!tpu.dma_semaphore, #tpu.memory_space<semaphore_mem>>) src(%dma_wait3A_78 : memref<512xf32, #tpu.memory_space<vmem>>) dst(%dma_wait3A_76 : memref<512xf32, #tpu.memory_space<hbm>>)
    %mul3A_79 = arith.constant 512 : i32
    %mul3A_80 = arith.muli %mul3A_2, %mul3A_79 : i32
    %dma_wait3A_81 = arith.constant 0 : i32
    %dma_wait3A_82 = tpu.memref_slice %arg5[%dma_wait3A_81] : memref<26624xf32, #tpu.memory_space<vmem>> -> memref<512xf32, #tpu.memory_space<vmem>>
    %dma_wait3A_83 = tpu.memref_slice %arg4[%mul3A_80] : memref<1048576xf32, #tpu.memory_space<hbm>> -> memref<512xf32, #tpu.memory_space<hbm>>
    %dma_wait3A_84 = tpu.memref_slice %arg4[%mul3A_80] : memref<1048576xf32, #tpu.memory_space<hbm>> -> memref<512xf32, #tpu.memory_space<hbm>>
    %dma_wait3A_85 = arith.constant 0 : i32
    %dma_wait3A_86 = tpu.memref_slice %arg5[%dma_wait3A_85] : memref<26624xf32, #tpu.memory_space<vmem>> -> memref<512xf32, #tpu.memory_space<vmem>>
    tpu.wait_dma2 semaphore(%arg7 : memref<!tpu.dma_semaphore, #tpu.memory_space<semaphore_mem>>) src(%dma_wait3A_86 : memref<512xf32, #tpu.memory_space<vmem>>) dst(%dma_wait3A_84 : memref<512xf32, #tpu.memory_space<hbm>>)
    %mul3A_87 = arith.constant 512 : i32
    %mul3A_88 = arith.muli %mul3A_2, %mul3A_87 : i32
    %dma_wait3A_89 = arith.constant 0 : i32
    %dma_wait3A_90 = tpu.memref_slice %arg5[%dma_wait3A_89] : memref<26624xf32, #tpu.memory_space<vmem>> -> memref<512xf32, #tpu.memory_space<vmem>>
    %dma_wait3A_91 = tpu.memref_slice %arg4[%mul3A_88] : memref<1048576xf32, #tpu.memory_space<hbm>> -> memref<512xf32, #tpu.memory_space<hbm>>
    %dma_wait3A_92 = tpu.memref_slice %arg4[%mul3A_88] : memref<1048576xf32, #tpu.memory_space<hbm>> -> memref<512xf32, #tpu.memory_space<hbm>>
    %dma_wait3A_93 = arith.constant 0 : i32
    %dma_wait3A_94 = tpu.memref_slice %arg5[%dma_wait3A_93] : memref<26624xf32, #tpu.memory_space<vmem>> -> memref<512xf32, #tpu.memory_space<vmem>>
    tpu.wait_dma2 semaphore(%arg7 : memref<!tpu.dma_semaphore, #tpu.memory_space<semaphore_mem>>) src(%dma_wait3A_94 : memref<512xf32, #tpu.memory_space<vmem>>) dst(%dma_wait3A_92 : memref<512xf32, #tpu.memory_space<hbm>>)
    %mul3A_95 = arith.constant 512 : i32
    %mul3A_96 = arith.muli %mul3A_2, %mul3A_95 : i32
    %dma_wait3A_97 = arith.constant 0 : i32
    %dma_wait3A_98 = tpu.memref_slice %arg5[%dma_wait3A_97] : memref<26624xf32, #tpu.memory_space<vmem>> -> memref<512xf32, #tpu.memory_space<vmem>>
    %dma_wait3A_99 = tpu.memref_slice %arg4[%mul3A_96] : memref<1048576xf32, #tpu.memory_space<hbm>> -> memref<512xf32, #tpu.memory_space<hbm>>
    %dma_wait3A_100 = tpu.memref_slice %arg4[%mul3A_96] : memref<1048576xf32, #tpu.memory_space<hbm>> -> memref<512xf32, #tpu.memory_space<hbm>>
    %dma_wait3A_101 = arith.constant 0 : i32
    %dma_wait3A_102 = tpu.memref_slice %arg5[%dma_wait3A_101] : memref<26624xf32, #tpu.memory_space<vmem>> -> memref<512xf32, #tpu.memory_space<vmem>>
    tpu.wait_dma2 semaphore(%arg7 : memref<!tpu.dma_semaphore, #tpu.memory_space<semaphore_mem>>) src(%dma_wait3A_102 : memref<512xf32, #tpu.memory_space<vmem>>) dst(%dma_wait3A_100 : memref<512xf32, #tpu.memory_space<hbm>>)
    %mul3A_103 = arith.constant 512 : i32
    %mul3A_104 = arith.muli %mul3A_2, %mul3A_103 : i32
    %dma_wait3A_105 = arith.constant 0 : i32
    %dma_wait3A_106 = tpu.memref_slice %arg5[%dma_wait3A_105] : memref<26624xf32, #tpu.memory_space<vmem>> -> memref<512xf32, #tpu.memory_space<vmem>>
    %dma_wait3A_107 = tpu.memref_slice %arg4[%mul3A_104] : memref<1048576xf32, #tpu.memory_space<hbm>> -> memref<512xf32, #tpu.memory_space<hbm>>
    %dma_wait3A_108 = tpu.memref_slice %arg4[%mul3A_104] : memref<1048576xf32, #tpu.memory_space<hbm>> -> memref<512xf32, #tpu.memory_space<hbm>>
    %dma_wait3A_109 = arith.constant 0 : i32
    %dma_wait3A_110 = tpu.memref_slice %arg5[%dma_wait3A_109] : memref<26624xf32, #tpu.memory_space<vmem>> -> memref<512xf32, #tpu.memory_space<vmem>>
    tpu.wait_dma2 semaphore(%arg7 : memref<!tpu.dma_semaphore, #tpu.memory_space<semaphore_mem>>) src(%dma_wait3A_110 : memref<512xf32, #tpu.memory_space<vmem>>) dst(%dma_wait3A_108 : memref<512xf32, #tpu.memory_space<hbm>>)
    %mul3A_111 = arith.constant 512 : i32
    %mul3A_112 = arith.muli %mul3A_2, %mul3A_111 : i32
    %dma_wait3A_113 = arith.constant 0 : i32
    %dma_wait3A_114 = tpu.memref_slice %arg5[%dma_wait3A_113] : memref<26624xf32, #tpu.memory_space<vmem>> -> memref<512xf32, #tpu.memory_space<vmem>>
    %dma_wait3A_115 = tpu.memref_slice %arg4[%mul3A_112] : memref<1048576xf32, #tpu.memory_space<hbm>> -> memref<512xf32, #tpu.memory_space<hbm>>
    %dma_wait3A_116 = tpu.memref_slice %arg4[%mul3A_112] : memref<1048576xf32, #tpu.memory_space<hbm>> -> memref<512xf32, #tpu.memory_space<hbm>>
    %dma_wait3A_117 = arith.constant 0 : i32
    %dma_wait3A_118 = tpu.memref_slice %arg5[%dma_wait3A_117] : memref<26624xf32, #tpu.memory_space<vmem>> -> memref<512xf32, #tpu.memory_space<vmem>>
    tpu.wait_dma2 semaphore(%arg7 : memref<!tpu.dma_semaphore, #tpu.memory_space<semaphore_mem>>) src(%dma_wait3A_118 : memref<512xf32, #tpu.memory_space<vmem>>) dst(%dma_wait3A_116 : memref<512xf32, #tpu.memory_space<hbm>>)
    %mul3A_119 = arith.constant 512 : i32
    %mul3A_120 = arith.muli %mul3A_2, %mul3A_119 : i32
    %dma_wait3A_121 = arith.constant 0 : i32
    %dma_wait3A_122 = tpu.memref_slice %arg5[%dma_wait3A_121] : memref<26624xf32, #tpu.memory_space<vmem>> -> memref<512xf32, #tpu.memory_space<vmem>>
    %dma_wait3A_123 = tpu.memref_slice %arg4[%mul3A_120] : memref<1048576xf32, #tpu.memory_space<hbm>> -> memref<512xf32, #tpu.memory_space<hbm>>
    %dma_wait3A_124 = tpu.memref_slice %arg4[%mul3A_120] : memref<1048576xf32, #tpu.memory_space<hbm>> -> memref<512xf32, #tpu.memory_space<hbm>>
    %dma_wait3A_125 = arith.constant 0 : i32
    %dma_wait3A_126 = tpu.memref_slice %arg5[%dma_wait3A_125] : memref<26624xf32, #tpu.memory_space<vmem>> -> memref<512xf32, #tpu.memory_space<vmem>>
    tpu.wait_dma2 semaphore(%arg7 : memref<!tpu.dma_semaphore, #tpu.memory_space<semaphore_mem>>) src(%dma_wait3A_126 : memref<512xf32, #tpu.memory_space<vmem>>) dst(%dma_wait3A_124 : memref<512xf32, #tpu.memory_space<hbm>>)
    %mul3A_127 = arith.constant 512 : i32
    %mul3A_128 = arith.muli %mul3A_2, %mul3A_127 : i32
    %dma_wait3A_129 = arith.constant 0 : i32
    %dma_wait3A_130 = tpu.memref_slice %arg5[%dma_wait3A_129] : memref<26624xf32, #tpu.memory_space<vmem>> -> memref<512xf32, #tpu.memory_space<vmem>>
    %dma_wait3A_131 = tpu.memref_slice %arg4[%mul3A_128] : memref<1048576xf32, #tpu.memory_space<hbm>> -> memref<512xf32, #tpu.memory_space<hbm>>
    %dma_wait3A_132 = tpu.memref_slice %arg4[%mul3A_128] : memref<1048576xf32, #tpu.memory_space<hbm>> -> memref<512xf32, #tpu.memory_space<hbm>>
    %dma_wait3A_133 = arith.constant 0 : i32
    %dma_wait3A_134 = tpu.memref_slice %arg5[%dma_wait3A_133] : memref<26624xf32, #tpu.memory_space<vmem>> -> memref<512xf32, #tpu.memory_space<vmem>>
    tpu.wait_dma2 semaphore(%arg7 : memref<!tpu.dma_semaphore, #tpu.memory_space<semaphore_mem>>) src(%dma_wait3A_134 : memref<512xf32, #tpu.memory_space<vmem>>) dst(%dma_wait3A_132 : memref<512xf32, #tpu.memory_space<hbm>>)
    return
  }
}

module attributes {stable_mosaic.version = 14 : i64} {
  func.func @_tc_body(%arg0: i32, %arg1: memref<1x1x2048xi32, #tpu.memory_space<vmem>>, %arg2: memref<64x512xf32, #tpu.memory_space<vmem>>, %arg3: memref<2048x512xf32, #tpu.memory_space<vmem>>) attributes {dimension_semantics = [#tpu.dimension_semantics<arbitrary>], iteration_bounds = array<i64: 63>, scalar_prefetch = 0 : i64, scratch_operands = 0 : i64, tpu.core_type = #tpu.core_type<tc>, window_params = [{transform_indices = @transform_0, window_bounds = array<i64: 1, 1, 2048>}, {pipeline_mode = #tpu.pipeline_mode<synchronous>, transform_indices = @transform_1, window_bounds = array<i64: 64, 512>}, {transform_indices = @transform_2, window_bounds = array<i64: 2048, 512>}]} {
    %get3A = arith.constant 0 : index
    %get3A_0 = arith.constant 0 : index
    %get3A_1 = arith.constant 0 : index
    %get3A_2 = vector.load %arg1[%get3A, %get3A_0, %get3A_1] : memref<1x1x2048xi32, #tpu.memory_space<vmem>>, vector<1x1x2048xi32>
    %get3A_3 = vector.shape_cast %get3A_2 : vector<1x1x2048xi32> to vector<2048xi32>
    %reshape3A = vector.shape_cast %get3A_3 : vector<2048xi32> to vector<2048x1xi32>
    %iota3A = tpu.iota {dimensions = array<i32: 1>} : vector<2048x64xi32>
    %eq3A = vector.broadcast %reshape3A : vector<2048x1xi32> to vector<2048x64xi32>
    %eq3A_4 = arith.cmpi eq, %eq3A, %iota3A : vector<2048x64xi32>
    %convert_element_type3A = arith.extui %eq3A_4 : vector<2048x64xi1> to vector<2048x64xi32>
    %convert_element_type3A_5 = arith.sitofp %convert_element_type3A : vector<2048x64xi32> to vector<2048x64xf32>
    %get3A_6 = arith.constant 0 : index
    %get3A_7 = arith.constant 0 : index
    %get3A_8 = vector.load %arg2[%get3A_6, %get3A_7] : memref<64x512xf32, #tpu.memory_space<vmem>>, vector<64x512xf32>
    %dot_general3A = arith.constant dense<0.000000e+00> : vector<2048x512xf32>
    %dot_general3A_9 = tpu.matmul %convert_element_type3A_5, %get3A_8, %dot_general3A {dimension_numbers = #tpu.dot_dimension_numbers<[1], [0], [0], [1], [0, 0, 1, 1], [], []>, transpose_lhs_hint = false} : vector<2048x64xf32>, vector<64x512xf32>, vector<2048x512xf32> -> vector<2048x512xf32>
    %swap3A = arith.constant 0 : index
    %swap3A_10 = arith.constant 0 : index
    %swap3A_11 = vector.load %arg3[%swap3A, %swap3A_10] : memref<2048x512xf32, #tpu.memory_space<vmem>>, vector<2048x512xf32>
    tpu.vector_store %arg3[%swap3A, %swap3A_10], %dot_general3A_9 {strides = array<i32>} : memref<2048x512xf32, #tpu.memory_space<vmem>>, vector<2048x512xf32>,
    return
  }
  func.func @transform_0(%arg0: i32) -> (i32, i32, i32) {
    %c0_i32 = arith.constant 0 : i32
    %c0_i32_0 = arith.constant 0 : i32
    %c0_i32_1 = arith.constant 0 : i32
    return %arg0, %c0_i32, %c0_i32_0 : i32, i32, i32
  }
  func.func @transform_1(%arg0: i32) -> (i32, i32) {
    %c0_i32 = arith.constant 0 : i32
    %c0_i32_0 = arith.constant 0 : i32
    %c0_i32_1 = arith.constant 0 : i32
    return %c0_i32, %c0_i32_0 : i32, i32
  }
  func.func @transform_2(%arg0: i32) -> (i32, i32) {
    %add3A = arith.constant 1 : i32
    %add3A_0 = arith.addi %add3A, %arg0 : i32
    %c0_i32 = arith.constant 0 : i32
    %c0_i32_1 = arith.constant 0 : i32
    return %add3A_0, %c0_i32 : i32, i32
  }
}

</mosaic_0001>

<sc_bundles>
// kernel: kernel.4.cloned.1.call-start
scs
__scs_entry_jumppad:
0x0: {  	(pc) =	sbr.rel $0x88, $3  }
0x1: {  	(tag) =	ssettag $0x0;
	lr =	simm.s32 $0x1  }
0x2: {  	[smem:$0x3F9F] =	sst lr;
	_ =	strace $0xD0000000  }
0x3: {  	_ = 	snop  }
0x4: {  	_ = 	snop  }
0x5: {  	_ = 	snop  }
0x6: {  	_ = 	snop  }
0x7: {  	_ = 	snop  }
__scs_overlays_trampoline_lowered:
0x8: {  	[smem:$0x3FAE] =	sst s0  }
0x9: {  	[smem:$0x3FAF] =	sst s1  }
0xa: {  	[smem:$0x3FB0] =	sst s2  }
0xb: {  	[smem:$0x3FB1] =	sst s3  }
0xc: {  	[smem:$0x3FB2] =	sst s4  }
0xd: {  	[smem:$0x3FB3] =	sst s5  }
0xe: {  	[smem:$0x3FB4] =	sst s6  }
0xf: {  	[smem:$0x3FB5] =	sst s7  }
0x10: {  	[smem:$0x3FB6] =	sst s8  }
0x11: {  	[smem:$0x3FB7] =	sst s9;
	s0 =	simm.s32 @!p0 $0x0  }
0x12: {  	s1 =	sld [smem:$0x3F9D];
	s0 =	simm.s32 @p0 $0x1  }
0x13: {  	[smem:$0x3FB8] =	sst s0;
	s0 =	simm.s32 @!p1 $0x0  }
0x14: {  	s2 =	sld [smem:$0x3F9C];
	s0 =	simm.s32 @p1 $0x1  }
0x15: {  	[smem:$0x3FB9] =	sst s0;
	s0 =	simm.s32 @!p2 $0x0  }
0x16: {  	s3 =	sld [smem:$0x3FDB];
	s0 =	simm.s32 @p2 $0x1  }
0x17: {  	s4 =	simm.s32 $0x1BF5;
	[smem:$0x3FBB] =	sst s0  }
0x18: {  	s0 =	sld [smem:$0x3F9E];
	_ =	swait.ge [sflag:s4], $0x0  }
0x19: {  	s7 =	sld [smem:$0x3F9F]  }
0x1a: {  	s8 =	sadd.s32 $0xFFFFE003, lr  }
0x1b: {  	s9 =	sadd.s32 $0xFFFFFEF7, lr;
	s5 =	simm.s32 $0xFFFFFFFF;
	p2 =	slt.u32 s8, $0xFFFFF086  }
0x1c: {  	p1 =	slt.u32 s9, $0xF7A;
	s5 =	simm.s32 @!p2 $0x0  }
0x1d: {  	s5 =	simm.s32 @p1 $0x1;
	p0 =	seq.s32 s7, s2  }
0x1e: {  	s7 =	smul.u32 @!p0 $0xF7A, s2;
	p2 =	seq.s32 @!p0 s5, $0x0  }
0x1f: {  	s9 =	smul.u32 $0xF7A, s1;
	s8 =	simm.s32 @!p0 $0x1BF5;
	p2 =	por !p2, p0  }
0x20: {  	[sflag:s8] =	ssyncset.s32 @!p0 $0xFFFFF086;
	s6 =	sadd.s32 @!p0 s3, s7;
	s7 =	simm.s32 @!p0 $0x108  }
0x21: {  	s3 =	sadd.s32 s3, s9;
	s6 =	sadd.s32 @!p0 $0x88, s6;
	s7 =	simm.s32 @p2 $0x1082  }
0x22: {  	[simem:s7], [sflag:s8] =	dma.local @!p0 [hbm:s6], $0xF7A  }
0x23: {  	s9 =	sor.u32 $0xD0000000, s2;
	s6 =	simm.s32 $0x108;
	_ =	swait.ge @!p0 [sflag:s8], $0x0  }
0x24: {  	s3 =	sadd.s32 $0x88, s3;
	s6 =	simm.s32 @!p1 $0x1082;
	[sflag:s4] =	ssyncset.s32 $0xFFFFF086  }
0x25: {  	[simem:s6], [sflag:s4] =	dma.local [hbm:s3], $0xF7A  }
0x26: {  	[smem:$0x3F9F] =	sst s1;
	(tag) =	ssettag s2;
	_ =	strace s9  }
0x27: {  	s1 =	sld [smem:$0x3FAF]  }
0x28: {  	s2 =	sld [smem:$0x3FB0]  }
0x29: {  	s4 =	sld [smem:$0x3FB2]  }
0x2a: {  	p0 =	seq.s32 s5, $0x0;
	s5 =	sld [smem:$0x3FB3]  }
0x2b: {  	s6 =	sld [smem:$0x3FB4]  }
0x2c: {  	s7 =	sld [smem:$0x3FB5]  }
0x2d: {  	s3 =	simm.s32 $0x108;
	s8 =	sld [smem:$0x3FB6]  }
0x2e: {  	s3 =	simm.s32 @!p0 $0x1082;
	s9 =	sld [smem:$0x3FB7]  }
0x2f: {  	lr =	sadd.s32 s0, s3;
	s0 =	sld [smem:$0x3FAE]  }
0x30: {  	s3 =	sld [smem:$0x3FB1]  }
0x31: {  	[smem:$0x3FBA] =	sst s10  }
0x32: {  	s10 =	sld [smem:$0x3FB8];
	_ =	sdelay $0x3  }
0x33: {  	p0 =	seq.s32 s10, $0x1;
	s10 =	sld [smem:$0x3FBA];
	_ =	sdelay $0x3  }
0x34: {  	[smem:$0x3FBA] =	sst s10  }
0x35: {  	s10 =	sld [smem:$0x3FB9];
	_ =	sdelay $0x3  }
0x36: {  	p1 =	seq.s32 s10, $0x1;
	s10 =	sld [smem:$0x3FBA];
	_ =	sdelay $0x3  }
0x37: {  	[smem:$0x3FBA] =	sst s10  }
0x38: {  	s10 =	sld [smem:$0x3FBB]  }
0x39: {  	_ = 	snop;
	(pc) =	sbr.ind lr, $3  }
0x3a: {  	_ = 	snop  }
0x3b: {  	_ = 	snop  }
0x3c: {  	p2 =	seq.s32 s10, $0x1;
	s10 =	sld [smem:$0x3FBA]  }
0x3d: {  	_ =	shalt  }
0x3e: {  	_ =	shalt  }
0x3f: {  	_ =	shalt  }
0x40: {  	_ =	shalt  }
0x41: {  	_ =	shalt  }
0x42: {  	_ =	shalt  }
0x43: {  	_ =	shalt  }
0x44: {  	_ =	shalt  }
0x45: {  	_ =	shalt  }
0x46: {  	_ =	shalt  }
0x47: {  	_ =	shalt  }
0x48: {  	_ =	shalt  }
0x49: {  	_ =	shalt  }
0x4a: {  	_ =	shalt  }
0x4b: {  	_ =	shalt  }
0x4c: {  	_ =	shalt  }
0x4d: {  	_ =	shalt  }
0x4e: {  	_ =	shalt  }
0x4f: {  	_ =	shalt  }
0x50: {  	_ =	shalt  }
0x51: {  	_ =	shalt  }
0x52: {  	_ =	shalt  }
0x53: {  	_ =	shalt  }
0x54: {  	_ =	shalt  }
0x55: {  	_ =	shalt  }
0x56: {  	_ =	shalt  }
0x57: {  	_ =	shalt  }
0x58: {  	_ =	shalt  }
0x59: {  	_ =	shalt  }
0x5a: {  	_ =	shalt  }
0x5b: {  	_ =	shalt  }
0x5c: {  	_ =	shalt  }
0x5d: {  	_ =	shalt  }
0x5e: {  	_ =	shalt  }
0x5f: {  	_ =	shalt  }
0x60: {  	_ =	shalt  }
0x61: {  	_ =	shalt  }
0x62: {  	_ =	shalt  }
0x63: {  	_ =	shalt  }
0x64: {  	_ =	shalt  }
0x65: {  	_ =	shalt  }
0x66: {  	_ =	shalt  }
0x67: {  	_ =	shalt  }
0x68: {  	_ =	shalt  }
0x69: {  	_ =	shalt  }
0x6a: {  	_ =	shalt  }
0x6b: {  	_ =	shalt  }
0x6c: {  	_ =	shalt  }
0x6d: {  	_ =	shalt  }
0x6e: {  	_ =	shalt  }
0x6f: {  	_ =	shalt  }
0x70: {  	_ =	shalt  }
0x71: {  	_ =	shalt  }
0x72: {  	_ =	shalt  }
0x73: {  	_ =	shalt  }
0x74: {  	_ =	shalt  }
0x75: {  	_ =	shalt  }
0x76: {  	_ =	shalt  }
0x77: {  	_ =	shalt  }
0x78: {  	_ =	shalt  }
0x79: {  	_ =	shalt  }
0x7a: {  	_ =	shalt  }
0x7b: {  	_ =	shalt  }
0x7c: {  	_ =	shalt  }
0x7d: {  	_ =	shalt  }
0x7e: {  	_ =	shalt  }
0x7f: {  	_ =	shalt  }
0x80: {  	_ =	shalt  }
0x81: {  	_ =	shalt  }
0x82: {  	_ =	shalt  }
0x83: {  	_ =	shalt  }
0x84: {  	_ =	shalt  }
0x85: {  	_ =	shalt  }
0x86: {  	_ =	shalt  }
0x87: {  	_ =	shalt  }
.Lfunc_end0:
.L_simem_size_0:
called_computation_lowered:
.L_overlay_start_0:
0x88: {  	s2 =	sld [smem:$0x3FD9]  }
0x89: {  	s3 =	sld [smem:$0x3FFE];
	_ =	sdelay $0x1  }
0x8a: {  	s1 =	srdreg.scid  }
0x8b: {  	s0 =	sand.u32 $0x1, s1  }
0x8c: {  	s16 =	sshll.u32 s0, $0xA;
	s2 =	sadd.s32 s3, s2  }
0x8d: {  	s2 =	sadd.s32 s2, s16  }
0x8e: {  	[smem:$0x3FC6] =	sst s2  }
0x8f: {  	_ = 	snop  }
0x90: {  	(tm) =	ssettm $0x1  }
0x91: {  	s17 =	sld [smem:$0x3FFB];
	_ =	sdelay $0x3  }
0x92: {  	_ =	strace s17  }
0x93: {  	s2 =	sld [smem:$0x3FFC];
	_ =	sdelay $0x3  }
0x94: {  	_ =	strace s2  }
0x95: {  	s2 =	sld [smem:$0x3FFD];
	_ =	sdelay $0x3  }
0x96: {  	_ =	strace s2  }
0x97: {  	_ =	strace $0x8FFFFFFF  }
0x98: {  	s18 =	sld [smem:$0x3FDB];
	_ =	sdelay $0x1  }
0x99: {  	s19 =	simm.s32 $_scs_section_size  }
0x9a: {  	s4 =	simm.s32 $_size__tile_overlayer_lowered;
	s5 =	simm.s32 $_tile_overlayer_lowered  }
0x9b: {  	s22 =	simm.s32 $0x1BFF;
	s21 =	sshll.u32 s5, $0x1;
	s2 =	sadd.s32 s19, s18  }
0x9c: {  	s6 =	simm.s32 $0x0;
	s20 =	sshll.u32 s4, $0x1;
	s4 =	sadd.s32 s21, s2  }
0x9d: {  	[timem:s6], [sflag:s22] =	dma.local [hbm:s4], s20  }
0x9e: {  	_ =	swait.ge [sflag:s22], s20  }
0x9f: {  	s3 =	ssub.s32 $0x0, s20;
	[sflag:s22] =	ssyncset.done $0x0  }
0xa0: {  	[sflag:s22] =	ssyncadd.s32 s3;
	_ =	sdelay $0x1  }
0xa1: {  	s23 =	simm.s32 $0x1B8B  }
0xa2: {  	_ =	swait.ge [sflag:s23], $0x1  }
0xa3: {  	[sflag:s23] =	ssyncset.done $0x0  }
0xa4: {  	s25 =	simm.s32 $0x1B8E;
	s24 =	sld [smem:$0x3FFE];
	[sflag:s23] =	ssyncadd.s32 $0xFFFFFFFF  }
0xa5: {  	s26 =	simm.s32 $execute0_lowered;
	[smem:$0x3FD2] =	sst s25  }
0xa6: {  	s4 =	sshll.u32 s26, $0x1;
	_ =	strace $0x80000046;
	[dreg:$0x1] =	wrdreg $0xFFFFFFFF  }
0xa7: {  	s28 =	simm.s32 $_size_execute0_lowered;
	s2 =	sadd.s32 s2, s4;
	[dreg:$0x0] =	wrdreg $0x0  }
0xa8: {  	s4 =	sshll.u32 s28, $0x1;
	[dreg:$0x2] =	wrdreg s2  }
0xa9: {  	[dreg:$0x3] =	wrdreg s4  }
0xaa: {  	[dreg:$0x4] =	wrdreg $0xC0  }
0xab: {  	_ =	task [dreg:s6], $0x5FFFF  }
0xac: {  	[dreg:$0x1] =	wrdreg $0xFFFFFFFF  }
0xad: {  	[dreg:$0x0] =	wrdreg $0x60  }
0xae: {  	[dreg:$0x2] =	wrdreg s24  }
0xaf: {  	[dreg:$0x3] =	wrdreg $0x9  }
0xb0: {  	_ =	task.clear_ibuf [dreg:s6], $0x4FFFF;
	_ =	strace $0x90000046  }
0xb1: {  	s29 =	simm.s32 $0x9;
	_ =	strace $0x80000048  }
0xb2: {  	_ =	swait.ge [sflag:s29], $0x1  }
0xb3: {  	[sflag:s29] =	ssyncadd.s32 $0xFFFFFFFF  }
0xb4: {  	_ =	strace $0x90000048  }
0xb5: {  	_ =	sfence  }
0xb6: {  	s30 =	sld [smem:$0x0];
	_ =	sdelay $0x2  }
0xb7: {  	s31 =	sshll.u32 s1, $0xD;
	s1 =	sshrl.u32 s1, $0x2  }
0xb8: {  	s3 =	sand.u32 $0x4000, s31;
	s1 =	sadd.s32 s1, s30  }
0xb9: {  	s0 =	sor.u32 s3, s0;
	s1 =	sshll.u32 s1, $0x11  }
0xba: {  	s0 =	sor.u32 s1, s0  }
0xbb: {  	s0 =	sadd.s32 $0x8F2B, s0  }
0xbc: {  	[sflag:s0] =	ssyncadd.remote.s32 $0x1  }
0xbd: {  	_ =	sfence.sel $0xFFFF  }
0xbe: {  	[dreg:$0x0] =	wrdreg $0xFFFFFFFF;
	(pc) =	sbr.abs _section_cstart, $3  }
0xbf: {  	[dreg:$0x1] =	wrdreg $0xFFFFFFFF  }
0xc0: {  	_ =	task.clear_ibuf [dreg:s6], $0x2FFFF;
	_ =	strace $0x9FFFFFFF  }
0xc1: {  	(tm) =	ssettm $0x7FFFFFFF  }
tec
execute0_lowered:
.L_overlay_start_1:
0x0: {  	(tag) =	ssettag $0x1  }
0x1: {  	s3 =	rddreg [dreg:$0x0];
	s2 =	srdreg.scid  }
0x2: {  	s0 =	rddreg [dreg:$0x1];
	s1 =	stileid.u32  }
0x3: {  	s4 =	sand.u32 $0x1, s2;
	s2 =	simm.s32 $0x0;
	s5 =	sshll.u32 s1, $0x7  }
0x4: {  	s29 =	sshll.u32 s1, $0xD;
	s6 =	sshll.u32 s4, $0x6;
	[smem:$0x7FF] =	sst s2  }
0x5: {  	s7 =	ssub.s32 $0x2, s4;
	s4 =	sshll.u32 s4, $0xC;
	s5 =	sor.u32 s6, s5  }
0x6: {  	_ =	strace $0x80000047;
	s6 =	sadd.s32 s29, s3;
	s8 =	sshrl.u32 s7, $0x1  }
0x7: {  	s5 =	sshrl.u32 s5, $0x3;
	s4 =	sadd.s32 s4, s6;
	s30 =	ssub.s32 s7, s8  }
0x8: {  	s6 =	simm.s32 $0x2;
	s7 =	simm.s32 $0x1;
	s8 =	simm.s32 $0x0  }
0x9: {  	s5 =	sadd.s32 s5, s3;
	s3 =	sadd.s32 $0x600, s3;
	s31 =	sadd.s32 $0x1400, s4  }
0xa: {  	s4 =	sadd.s32 $0x400, s5;
	s5 =	smax.u32 s30, $0x1;
	[dreg:$0x2] =	wrdreg s31  }
.LBB2_1:
0xb: {  	[tilespmem:s2], [sflag:$0x2] =	stream.linear.gather [hbm4b:s3+s2], $0x6800, $0x38;
	[tilespmem:$0x6840] =	vst v63  }
0xc: {  	_ =	swait.ge [sflag:s6], $0x6800  }
0xd: {  	[sflag:s6] =	ssyncset.done $0x0  }
0xe: {  	s9 =	simm.s32 $0x6800;
	[sflag:s6] =	ssyncadd.s32 $0xFFFF9800  }
0xf: {  	[tilespmem:s9], [sflag:$0x2] =	stream.linear.gather [hbm4b:s4+s2], $0x40, $0x38;
	[tilespmem:$0x6840] =	vst v63  }
0x10: {  	_ =	swait.ge [sflag:s6], $0x40  }
0x11: {  	[sflag:s6] =	ssyncset.done $0x0  }
0x12: {  	[sflag:s6] =	ssyncadd.s32 $0xFFFFFFC0  }
0x13: {  	v0 =	vld [tilespmem:s9+$0x0];
	_ =	sdelay $0x4  }
0x14: {  	v0 =	vshll.u32 v0, $0xB  }
0x15: {  	v0 =	vshra.s32 v0, $0x2  }
0x16: {  	(v2sf) =	vpush v0, $0x0;
	_ =	sdelay $0x1  }
0x17: {  	(v2sf) =	vpush v0, $0x1;
	_ =	sdelay $0x1  }
0x18: {  	(v2sf) =	vpush v0, $0x2;
	_ =	sdelay $0x1  }
0x19: {  	(v2sf) =	vpush v0, $0x3;
	_ =	sdelay $0x1  }
0x1a: {  	(v2sf) =	vpush v0, $0x4;
	_ =	sdelay $0x1  }
0x1b: {  	(v2sf) =	vpush v0, $0x5;
	_ =	sdelay $0x1  }
0x1c: {  	(v2sf) =	vpush v0, $0x6;
	_ =	sdelay $0x1  }
0x1d: {  	s10 =	rddreg [dreg:$0x2];
	(v2sf) =	vpush v0, $0x7  }
0x1e: {  	s10 =	sadd.s32 $0x0, s10;
	s11 =	spop (v2sf)  }
0x1f: {  	(v2sf) =	vpush v0, $0x8;
	[hbm4b:s10+s2] =	stream.linear.scatter [tilespmem:s11], [sflag:$0x1], $0x200, $0x38;
	[tilespmem:$0x6840] =	vst v63  }
0x20: {  	s22 =	sadd.s32 $0x40, s10;
	s12 =	spop (v2sf)  }
0x21: {  	(v2sf) =	vpush v0, $0x9;
	[hbm4b:s22+s2] =	stream.linear.scatter [tilespmem:s12], [sflag:$0x1], $0x200, $0x38;
	[tilespmem:$0x6840] =	vst v63  }
0x22: {  	s23 =	sadd.s32 $0x80, s10;
	s24 =	spop (v2sf)  }
0x23: {  	(v2sf) =	vpush v0, $0xA;
	[hbm4b:s23+s2] =	stream.linear.scatter [tilespmem:s24], [sflag:$0x1], $0x200, $0x38;
	[tilespmem:$0x6840] =	vst v63  }
0x24: {  	s25 =	sadd.s32 $0xC0, s10;
	s26 =	spop (v2sf)  }
0x25: {  	(v2sf) =	vpush v0, $0xB;
	[hbm4b:s25+s2] =	stream.linear.scatter [tilespmem:s26], [sflag:$0x1], $0x200, $0x38;
	[tilespmem:$0x6840] =	vst v63  }
0x26: {  	s28 =	sadd.s32 $0x100, s10;
	s29 =	spop (v2sf)  }
0x27: {  	(v2sf) =	vpush v0, $0xC;
	[hbm4b:s28+s2] =	stream.linear.scatter [tilespmem:s29], [sflag:$0x1], $0x200, $0x38;
	[tilespmem:$0x6840] =	vst v63  }
0x28: {  	s30 =	sadd.s32 $0x140, s10;
	s31 =	spop (v2sf)  }
0x29: {  	(v2sf) =	vpush v0, $0xD;
	[hbm4b:s30+s2] =	stream.linear.scatter [tilespmem:s31], [sflag:$0x1], $0x200, $0x38;
	[tilespmem:$0x6840] =	vst v63  }
0x2a: {  	s12 =	sadd.s32 $0x180, s10;
	s13 =	spop (v2sf)  }
0x2b: {  	(v2sf) =	vpush v0, $0xE;
	[hbm4b:s12+s2] =	stream.linear.scatter [tilespmem:s13], [sflag:$0x1], $0x200, $0x38;
	[tilespmem:$0x6840] =	vst v63  }
0x2c: {  	s14 =	sadd.s32 $0x1C0, s10;
	s15 =	spop (v2sf)  }
0x2d: {  	(v2sf) =	vpush v0, $0xF;
	[hbm4b:s14+s2] =	stream.linear.scatter [tilespmem:s15], [sflag:$0x1], $0x200, $0x38;
	[tilespmem:$0x6840] =	vst v63  }
0x2e: {  	s16 =	sadd.s32 $0x200, s10;
	s17 =	spop (v2sf)  }
0x2f: {  	[hbm4b:s16+s2] =	stream.linear.scatter [tilespmem:s17], [sflag:$0x1], $0x200, $0x38;
	[tilespmem:$0x6840] =	vst v63  }
0x30: {  	s18 =	sadd.s32 $0x240, s10;
	s19 =	spop (v2sf)  }
0x31: {  	[hbm4b:s18+s2] =	stream.linear.scatter [tilespmem:s19], [sflag:$0x1], $0x200, $0x38;
	[tilespmem:$0x6840] =	vst v63  }
0x32: {  	s20 =	sadd.s32 $0x280, s10;
	s21 =	spop (v2sf)  }
0x33: {  	[hbm4b:s20+s2] =	stream.linear.scatter [tilespmem:s21], [sflag:$0x1], $0x200, $0x38;
	[tilespmem:$0x6840] =	vst v63  }
0x34: {  	s22 =	sadd.s32 $0x2C0, s10;
	s23 =	spop (v2sf)  }
0x35: {  	[hbm4b:s22+s2] =	stream.linear.scatter [tilespmem:s23], [sflag:$0x1], $0x200, $0x38;
	[tilespmem:$0x6840] =	vst v63  }
0x36: {  	s24 =	sadd.s32 $0x300, s10;
	s25 =	spop (v2sf)  }
0x37: {  	[hbm4b:s24+s2] =	stream.linear.scatter [tilespmem:s25], [sflag:$0x1], $0x200, $0x38;
	[tilespmem:$0x6840] =	vst v63  }
0x38: {  	s26 =	sadd.s32 $0x340, s10;
	s28 =	spop (v2sf)  }
0x39: {  	[hbm4b:s26+s2] =	stream.linear.scatter [tilespmem:s28], [sflag:$0x1], $0x200, $0x38;
	[tilespmem:$0x6840] =	vst v63  }
0x3a: {  	p1 =	por $0x1, $0x1;
	s29 =	sadd.s32 $0x380, s10;
	s30 =	spop (v2sf)  }
0x3b: {  	[hbm4b:s29+s2] =	stream.linear.scatter [tilespmem:s30], [sflag:$0x1], $0x200, $0x38;
	[tilespmem:$0x6840] =	vst v63  }
0x3c: {  	s11 =	simm.s32 @!p1 $0x1;
	s10 =	sadd.s32 $0x3C0, s10;
	s31 =	spop (v2sf)  }
0x3d: {  	[hbm4b:s10+s2] =	stream.linear.scatter [tilespmem:s31], [sflag:$0x1], $0x200, $0x38;
	[tilespmem:$0x6840] =	vst v63  }
0x3e: {  	_ =	swait.ge @!p1 [sflag:s11], $0x200  }
0x3f: {  	[sflag:s11] =	ssyncset.done @!p1 $0x0  }
0x40: {  	[sflag:s11] =	ssyncadd.s32 @!p1 $0xFFFFFE00  }
0x41: {  	_ =	swait.ge @!p1 [sflag:s11], $0x200  }
0x42: {  	[sflag:s11] =	ssyncset.done @!p1 $0x0  }
0x43: {  	[sflag:s11] =	ssyncadd.s32 @!p1 $0xFFFFFE00  }
0x44: {  	_ =	swait.ge @!p1 [sflag:s11], $0x200  }
0x45: {  	[sflag:s11] =	ssyncset.done @!p1 $0x0  }
0x46: {  	[sflag:s11] =	ssyncadd.s32 @!p1 $0xFFFFFE00  }
0x47: {  	_ =	swait.ge @!p1 [sflag:s11], $0x200  }
0x48: {  	[sflag:s11] =	ssyncset.done @!p1 $0x0  }
0x49: {  	[sflag:s11] =	ssyncadd.s32 @!p1 $0xFFFFFE00  }
0x4a: {  	_ =	swait.ge @!p1 [sflag:s11], $0x200  }
0x4b: {  	[sflag:s11] =	ssyncset.done @!p1 $0x0  }
0x4c: {  	[sflag:s11] =	ssyncadd.s32 @!p1 $0xFFFFFE00  }
0x4d: {  	_ =	swait.ge @!p1 [sflag:s11], $0x200  }
0x4e: {  	[sflag:s11] =	ssyncset.done @!p1 $0x0  }
0x4f: {  	[sflag:s11] =	ssyncadd.s32 @!p1 $0xFFFFFE00  }
0x50: {  	_ =	swait.ge @!p1 [sflag:s11], $0x200  }
0x51: {  	[sflag:s11] =	ssyncset.done @!p1 $0x0  }
0x52: {  	[sflag:s11] =	ssyncadd.s32 @!p1 $0xFFFFFE00  }
0x53: {  	_ =	swait.ge @!p1 [sflag:s11], $0x200  }
0x54: {  	[sflag:s11] =	ssyncset.done @!p1 $0x0  }
0x55: {  	[sflag:s11] =	ssyncadd.s32 @!p1 $0xFFFFFE00  }
0x56: {  	_ =	swait.ge @!p1 [sflag:s11], $0x200  }
0x57: {  	[sflag:s11] =	ssyncset.done @!p1 $0x0  }
0x58: {  	[sflag:s11] =	ssyncadd.s32 @!p1 $0xFFFFFE00  }
0x59: {  	_ =	swait.ge @!p1 [sflag:s11], $0x200  }
0x5a: {  	[sflag:s11] =	ssyncset.done @!p1 $0x0  }
0x5b: {  	[sflag:s11] =	ssyncadd.s32 @!p1 $0xFFFFFE00  }
0x5c: {  	_ =	swait.ge @!p1 [sflag:s11], $0x200  }
0x5d: {  	[sflag:s11] =	ssyncset.done @!p1 $0x0  }
0x5e: {  	[sflag:s11] =	ssyncadd.s32 @!p1 $0xFFFFFE00  }
0x5f: {  	_ =	swait.ge @!p1 [sflag:s11], $0x200  }
0x60: {  	[sflag:s11] =	ssyncset.done @!p1 $0x0  }
0x61: {  	[sflag:s11] =	ssyncadd.s32 @!p1 $0xFFFFFE00  }
0x62: {  	_ =	swait.ge @!p1 [sflag:s11], $0x200  }
0x63: {  	[sflag:s11] =	ssyncset.done @!p1 $0x0  }
0x64: {  	[sflag:s11] =	ssyncadd.s32 @!p1 $0xFFFFFE00  }
0x65: {  	_ =	swait.ge @!p1 [sflag:s11], $0x200  }
0x66: {  	[sflag:s11] =	ssyncset.done @!p1 $0x0  }
0x67: {  	[sflag:s11] =	ssyncadd.s32 @!p1 $0xFFFFFE00  }
0x68: {  	_ =	swait.ge @!p1 [sflag:s11], $0x200  }
0x69: {  	[sflag:s11] =	ssyncset.done @!p1 $0x0  }
0x6a: {  	[sflag:s11] =	ssyncadd.s32 @!p1 $0xFFFFFE00  }
0x6b: {  	s10 =	simm.s32 $0x400;
	_ =	swait.ge @!p1 [sflag:s11], $0x200  }
.LBB2_2:
0x6c: {  	[sflag:s11] =	ssyncset.done @!p1 $0x0  }
0x6d: {  	s9 =	sadd.s32 $0x10, s9;
	[sflag:s11] =	ssyncadd.s32 @!p1 $0xFFFFFE00  }
0x6e: {  	v0 =	vld [tilespmem:s9+$0x0];
	_ =	sdelay $0x4  }
0x6f: {  	v0 =	vshll.u32 v0, $0xB  }
0x70: {  	v0 =	vshra.s32 v0, $0x2  }
0x71: {  	(v2sf) =	vpush v0, $0x0;
	_ =	sdelay $0x1  }
0x72: {  	(v2sf) =	vpush v0, $0x1;
	_ =	sdelay $0x1  }
0x73: {  	(v2sf) =	vpush v0, $0x2;
	_ =	sdelay $0x1  }
0x74: {  	(v2sf) =	vpush v0, $0x3;
	_ =	sdelay $0x1  }
0x75: {  	(v2sf) =	vpush v0, $0x4;
	_ =	sdelay $0x1  }
0x76: {  	(v2sf) =	vpush v0, $0x5;
	_ =	sdelay $0x1  }
0x77: {  	(v2sf) =	vpush v0, $0x6;
	_ =	sdelay $0x1  }
0x78: {  	s12 =	smov.u32 s10;
	s19 =	rddreg [dreg:$0x2];
	(v2sf) =	vpush v0, $0x7  }
0x79: {  	s11 =	sadd.s32 s12, s19;
	s13 =	spop (v2sf)  }
0x7a: {  	(v2sf) =	vpush v0, $0x8;
	[hbm4b:s11+s2] =	stream.linear.scatter [tilespmem:s13], [sflag:$0x1], $0x200, $0x38;
	[tilespmem:$0x6840] =	vst v63  }
0x7b: {  	s20 =	sadd.s32 $0x40, s11;
	s14 =	spop (v2sf)  }
0x7c: {  	(v2sf) =	vpush v0, $0x9;
	[hbm4b:s20+s2] =	stream.linear.scatter [tilespmem:s14], [sflag:$0x1], $0x200, $0x38;
	[tilespmem:$0x6840] =	vst v63  }
0x7d: {  	s21 =	sadd.s32 $0x80, s11;
	s22 =	spop (v2sf)  }
0x7e: {  	(v2sf) =	vpush v0, $0xA;
	[hbm4b:s21+s2] =	stream.linear.scatter [tilespmem:s22], [sflag:$0x1], $0x200, $0x38;
	[tilespmem:$0x6840] =	vst v63  }
0x7f: {  	s23 =	sadd.s32 $0xC0, s11;
	s24 =	spop (v2sf)  }
0x80: {  	(v2sf) =	vpush v0, $0xB;
	[hbm4b:s23+s2] =	stream.linear.scatter [tilespmem:s24], [sflag:$0x1], $0x200, $0x38;
	[tilespmem:$0x6840] =	vst v63  }
0x81: {  	s25 =	sadd.s32 $0x100, s11;
	s26 =	spop (v2sf)  }
0x82: {  	(v2sf) =	vpush v0, $0xC;
	[hbm4b:s25+s2] =	stream.linear.scatter [tilespmem:s26], [sflag:$0x1], $0x200, $0x38;
	[tilespmem:$0x6840] =	vst v63  }
0x83: {  	s28 =	sadd.s32 $0x140, s11;
	s29 =	spop (v2sf)  }
0x84: {  	(v2sf) =	vpush v0, $0xD;
	[hbm4b:s28+s2] =	stream.linear.scatter [tilespmem:s29], [sflag:$0x1], $0x200, $0x38;
	[tilespmem:$0x6840] =	vst v63  }
0x85: {  	s30 =	sadd.s32 $0x180, s11;
	s31 =	spop (v2sf)  }
0x86: {  	(v2sf) =	vpush v0, $0xE;
	[hbm4b:s30+s2] =	stream.linear.scatter [tilespmem:s31], [sflag:$0x1], $0x200, $0x38;
	[tilespmem:$0x6840] =	vst v63  }
0x87: {  	s14 =	sadd.s32 $0x1C0, s11;
	s15 =	spop (v2sf)  }
0x88: {  	(v2sf) =	vpush v0, $0xF;
	[hbm4b:s14+s2] =	stream.linear.scatter [tilespmem:s15], [sflag:$0x1], $0x200, $0x38;
	[tilespmem:$0x6840] =	vst v63  }
0x89: {  	s16 =	sadd.s32 $0x200, s11;
	s17 =	spop (v2sf)  }
0x8a: {  	[hbm4b:s16+s2] =	stream.linear.scatter [tilespmem:s17], [sflag:$0x1], $0x200, $0x38;
	[tilespmem:$0x6840] =	vst v63  }
0x8b: {  	s18 =	sadd.s32 $0x240, s11;
	s19 =	spop (v2sf)  }
0x8c: {  	[hbm4b:s18+s2] =	stream.linear.scatter [tilespmem:s19], [sflag:$0x1], $0x200, $0x38;
	[tilespmem:$0x6840] =	vst v63  }
0x8d: {  	s20 =	sadd.s32 $0x280, s11;
	s21 =	spop (v2sf)  }
0x8e: {  	[hbm4b:s20+s2] =	stream.linear.scatter [tilespmem:s21], [sflag:$0x1], $0x200, $0x38;
	[tilespmem:$0x6840] =	vst v63  }
0x8f: {  	s22 =	sadd.s32 $0x2C0, s11;
	s23 =	spop (v2sf)  }
0x90: {  	[hbm4b:s22+s2] =	stream.linear.scatter [tilespmem:s23], [sflag:$0x1], $0x200, $0x38;
	[tilespmem:$0x6840] =	vst v63  }
0x91: {  	s24 =	sadd.s32 $0x300, s11;
	s25 =	spop (v2sf)  }
0x92: {  	[hbm4b:s24+s2] =	stream.linear.scatter [tilespmem:s25], [sflag:$0x1], $0x200, $0x38;
	[tilespmem:$0x6840] =	vst v63  }
0x93: {  	s26 =	sadd.s32 $0x340, s11;
	s28 =	spop (v2sf)  }
0x94: {  	[hbm4b:s26+s2] =	stream.linear.scatter [tilespmem:s28], [sflag:$0x1], $0x200, $0x38;
	[tilespmem:$0x6840] =	vst v63  }
0x95: {  	s29 =	sadd.s32 $0x380, s11;
	s30 =	spop (v2sf)  }
0x96: {  	[hbm4b:s29+s2] =	stream.linear.scatter [tilespmem:s30], [sflag:$0x1], $0x200, $0x38;
	[tilespmem:$0x6840] =	vst v63  }
0x97: {  	p1 =	seq.s32 s12, $0x0;
	s11 =	sadd.s32 $0x3C0, s11;
	s31 =	spop (v2sf)  }
0x98: {  	[hbm4b:s11+s2] =	stream.linear.scatter [tilespmem:s31], [sflag:$0x1], $0x200, $0x38;
	[tilespmem:$0x6840] =	vst v63  }
0x99: {  	s11 =	simm.s32 @!p1 $0x1  }
0x9a: {  	_ =	swait.ge @!p1 [sflag:s11], $0x200  }
0x9b: {  	[sflag:s11] =	ssyncset.done @!p1 $0x0  }
0x9c: {  	[sflag:s11] =	ssyncadd.s32 @!p1 $0xFFFFFE00  }
0x9d: {  	_ =	swait.ge @!p1 [sflag:s11], $0x200  }
0x9e: {  	[sflag:s11] =	ssyncset.done @!p1 $0x0  }
0x9f: {  	[sflag:s11] =	ssyncadd.s32 @!p1 $0xFFFFFE00  }
0xa0: {  	_ =	swait.ge @!p1 [sflag:s11], $0x200  }
0xa1: {  	[sflag:s11] =	ssyncset.done @!p1 $0x0  }
0xa2: {  	[sflag:s11] =	ssyncadd.s32 @!p1 $0xFFFFFE00  }
0xa3: {  	_ =	swait.ge @!p1 [sflag:s11], $0x200  }
0xa4: {  	[sflag:s11] =	ssyncset.done @!p1 $0x0  }
0xa5: {  	[sflag:s11] =	ssyncadd.s32 @!p1 $0xFFFFFE00  }
0xa6: {  	_ =	swait.ge @!p1 [sflag:s11], $0x200  }
0xa7: {  	[sflag:s11] =	ssyncset.done @!p1 $0x0  }
0xa8: {  	[sflag:s11] =	ssyncadd.s32 @!p1 $0xFFFFFE00  }
0xa9: {  	_ =	swait.ge @!p1 [sflag:s11], $0x200  }
0xaa: {  	[sflag:s11] =	ssyncset.done @!p1 $0x0  }
0xab: {  	[sflag:s11] =	ssyncadd.s32 @!p1 $0xFFFFFE00  }
0xac: {  	_ =	swait.ge @!p1 [sflag:s11], $0x200  }
0xad: {  	[sflag:s11] =	ssyncset.done @!p1 $0x0  }
0xae: {  	[sflag:s11] =	ssyncadd.s32 @!p1 $0xFFFFFE00  }
0xaf: {  	_ =	swait.ge @!p1 [sflag:s11], $0x200  }
0xb0: {  	[sflag:s11] =	ssyncset.done @!p1 $0x0  }
0xb1: {  	[sflag:s11] =	ssyncadd.s32 @!p1 $0xFFFFFE00  }
0xb2: {  	_ =	swait.ge @!p1 [sflag:s11], $0x200  }
0xb3: {  	[sflag:s11] =	ssyncset.done @!p1 $0x0  }
0xb4: {  	[sflag:s11] =	ssyncadd.s32 @!p1 $0xFFFFFE00  }
0xb5: {  	_ =	swait.ge @!p1 [sflag:s11], $0x200  }
0xb6: {  	[sflag:s11] =	ssyncset.done @!p1 $0x0  }
0xb7: {  	[sflag:s11] =	ssyncadd.s32 @!p1 $0xFFFFFE00  }
0xb8: {  	_ =	swait.ge @!p1 [sflag:s11], $0x200  }
0xb9: {  	[sflag:s11] =	ssyncset.done @!p1 $0x0  }
0xba: {  	[sflag:s11] =	ssyncadd.s32 @!p1 $0xFFFFFE00  }
0xbb: {  	_ =	swait.ge @!p1 [sflag:s11], $0x200  }
0xbc: {  	[sflag:s11] =	ssyncset.done @!p1 $0x0  }
0xbd: {  	[sflag:s11] =	ssyncadd.s32 @!p1 $0xFFFFFE00  }
0xbe: {  	_ =	swait.ge @!p1 [sflag:s11], $0x200  }
0xbf: {  	[sflag:s11] =	ssyncset.done @!p1 $0x0  }
0xc0: {  	[sflag:s11] =	ssyncadd.s32 @!p1 $0xFFFFFE00  }
0xc1: {  	s10 =	sadd.s32 $0x400, s10;
	_ =	swait.ge @!p1 [sflag:s11], $0x200  }
0xc2: {  	p0 =	sne.s32 s10, $0x1000;
	[sflag:s11] =	ssyncset.done @!p1 $0x0  }
.Ltmp0:
0xc3: {  	[sflag:s11] =	ssyncadd.s32 @!p1 $0xFFFFFE00;
	(pc) =	sbr.rel @p0 .LBB2_2-.Ltmp0, $4  }
0xc4: {  	_ =	swait.ge @!p1 [sflag:s11], $0x200  }
0xc5: {  	[sflag:s11] =	ssyncset.done @!p1 $0x0  }
0xc6: {  	[sflag:s11] =	ssyncadd.s32 @!p1 $0xFFFFFE00  }
0xc7: {  	_ =	swait.ge @!p1 [sflag:s11], $0x200  }
0xc8: {  	[sflag:s11] =	ssyncset.done @!p1 $0x0  }
0xc9: {  	[sflag:s11] =	ssyncadd.s32 @!p1 $0xFFFFFE00  }
0xca: {  	_ =	swait.ge [sflag:s7], $0x200  }
0xcb: {  	[sflag:s7] =	ssyncset.done $0x0  }
0xcc: {  	[sflag:s7] =	ssyncadd.s32 $0xFFFFFE00  }
0xcd: {  	_ =	swait.ge [sflag:s7], $0x200  }
0xce: {  	[sflag:s7] =	ssyncset.done $0x0  }
0xcf: {  	[sflag:s7] =	ssyncadd.s32 $0xFFFFFE00  }
0xd0: {  	_ =	swait.ge [sflag:s7], $0x200  }
0xd1: {  	[sflag:s7] =	ssyncset.done $0x0  }
0xd2: {  	[sflag:s7] =	ssyncadd.s32 $0xFFFFFE00  }
0xd3: {  	_ =	swait.ge [sflag:s7], $0x200  }
0xd4: {  	[sflag:s7] =	ssyncset.done $0x0  }
0xd5: {  	[sflag:s7] =	ssyncadd.s32 $0xFFFFFE00  }
0xd6: {  	_ =	swait.ge [sflag:s7], $0x200  }
0xd7: {  	[sflag:s7] =	ssyncset.done $0x0  }
0xd8: {  	[sflag:s7] =	ssyncadd.s32 $0xFFFFFE00  }
0xd9: {  	_ =	swait.ge [sflag:s7], $0x200  }
0xda: {  	[sflag:s7] =	ssyncset.done $0x0  }
0xdb: {  	[sflag:s7] =	ssyncadd.s32 $0xFFFFFE00  }
0xdc: {  	_ =	swait.ge [sflag:s7], $0x200  }
0xdd: {  	[sflag:s7] =	ssyncset.done $0x0  }
0xde: {  	[sflag:s7] =	ssyncadd.s32 $0xFFFFFE00  }
0xdf: {  	_ =	swait.ge [sflag:s7], $0x200  }
0xe0: {  	[sflag:s7] =	ssyncset.done $0x0  }
0xe1: {  	[sflag:s7] =	ssyncadd.s32 $0xFFFFFE00  }
0xe2: {  	_ =	swait.ge [sflag:s7], $0x200  }
0xe3: {  	[sflag:s7] =	ssyncset.done $0x0  }
0xe4: {  	[sflag:s7] =	ssyncadd.s32 $0xFFFFFE00  }
0xe5: {  	_ =	swait.ge [sflag:s7], $0x200  }
0xe6: {  	[sflag:s7] =	ssyncset.done $0x0  }
0xe7: {  	[sflag:s7] =	ssyncadd.s32 $0xFFFFFE00  }
0xe8: {  	_ =	swait.ge [sflag:s7], $0x200  }
0xe9: {  	[sflag:s7] =	ssyncset.done $0x0  }
0xea: {  	[sflag:s7] =	ssyncadd.s32 $0xFFFFFE00  }
0xeb: {  	_ =	swait.ge [sflag:s7], $0x200  }
0xec: {  	[sflag:s7] =	ssyncset.done $0x0  }
0xed: {  	[sflag:s7] =	ssyncadd.s32 $0xFFFFFE00  }
0xee: {  	_ =	swait.ge [sflag:s7], $0x200  }
0xef: {  	[sflag:s7] =	ssyncset.done $0x0  }
0xf0: {  	[sflag:s7] =	ssyncadd.s32 $0xFFFFFE00  }
0xf1: {  	_ =	swait.ge [sflag:s7], $0x200  }
0xf2: {  	[sflag:s7] =	ssyncset.done $0x0  }
0xf3: {  	s8 =	sadd.s32 $0x1, s8;
	[sflag:s7] =	ssyncadd.s32 $0xFFFFFE00  }
0xf4: {  	p0 =	sne.s32 s8, s5;
	_ =	swait.ge [sflag:s7], $0x200  }
.Ltmp1:
0xf5: {  	[sflag:s7] =	ssyncset.done $0x0;
	(pc) =	sbr.rel @p0 .LBB2_1-.Ltmp1, $4  }
0xf6: {  	[sflag:s7] =	ssyncadd.s32 $0xFFFFFE00  }
0xf7: {  	_ =	swait.ge [sflag:s7], $0x200  }
0xf8: {  	[sflag:s7] =	ssyncset.done $0x0  }
0xf9: {  	[sflag:s7] =	ssyncadd.s32 $0xFFFFFE00  }
0xfa: {  	_ =	sfence.sel $0x180000  }
0xfb: {  	[bflag:$0x0] =	sbarrier.arrive $0xFFFF  }
0xfc: {  	p0 =	sne.s32 s1, $0x0;
	_ =	strace $0x90000047  }
0xfd: {  	s0 =	sadd.s32 @!p0 $0x100000, s0;
	[bflag:$0x2] =	sbarrier.arrive $0xFFFF  }
0xfe: {  	[sflag:s0] =	ssyncadd.tile.s32 @!p0 $0x1;
	_ =	shalt  }
.Lfunc_end2:
_tile_overlayer_lowered:
.L_overlay_start_2:
0xff: {  	(tag) =	ssettag $0x2  }
0x100: {  	s0 =	rddreg [dreg:$0x0];
	s2 =	stileid.u32  }
0x101: {  	s1 =	rddreg [dreg:$0x1];
	p0 =	sne.s32 s2, $0x0  }
0x102: {  	s3 =	rddreg [dreg:$0x2];
	[bflag:$0x3] =	sbarrier.arrive $0xFFFF;
	s2 =	simm.s32 @!p0 $0x1C02  }
0x103: {  	[timem:s3], [sflag:s2] =	dma.local @!p0 [hbm:s0], s1  }
0x104: {  	s0 =	simm.s32 @!p0 $0x2  }
0x105: {  	_ =	swait.ge @!p0 [sflag:s0], s1  }
0x106: {  	s1 =	ssub.s32 @!p0 $0x0, s1;
	[sflag:s0] =	ssyncset.done @!p0 $0x0  }
0x107: {  	[sflag:s0] =	ssyncadd.s32 @!p0 s1  }
0x108: {  	[bflag:$0x3] =	sbarrier.arrive $0xFFFF  }
0x109: {  	_ =	shalt  }

</sc_bundles>
